<compile_context>
chip_gen: v7x
topology: tpu7x:2x2x1
jax: 0.10.2.dev20260603
libtpu: 0.0.44.dev20260713+nightly
codegen_flags: <defaults>
</compile_context>

<pallas_src>
import functools

import jax
import jax.numpy as jnp
from jax import lax
from jax.experimental import pallas as pl
from jax.experimental.pallas import tpu as pltpu
from jax.experimental.pallas import tpu_sc as plsc

_EMB = 128
_NPOS = 8
_NODES = 262144
_GRAPHS = 1024
_SEG = _NPOS * _GRAPHS


_NB = 4096
_NBLK = _NODES // _NB


def _assign_body(batch_ref, protos_ref, x_ref, sb_ref):
    xb16 = x_ref[...].astype(jnp.bfloat16)
    pb = protos_ref[...]
    pb16 = pb.astype(jnp.bfloat16)
    hp = lax.dot_general(pb16, xb16, (((1,), (1,)), ((), ())),
                         preferred_element_type=jnp.float32)
    pn = jnp.sqrt(jnp.sum(pb * pb, axis=1, keepdims=True))
    s = hp / pn
    m = jnp.max(s, axis=0, keepdims=True)
    rows = lax.broadcasted_iota(jnp.int32, (_NPOS, _NB), 0)
    cand = jnp.where(s == m, rows, _NPOS)
    amin = jnp.min(cand, axis=0, keepdims=True)
    sb_ref[0] = batch_ref[0] * _NPOS + amin


def _assign(x, batch3, protos, blk0, nblk):
    sb3 = pl.pallas_call(
        _assign_body,
        grid=(nblk,),
        in_specs=[
            pl.BlockSpec((1, 1, _NB), lambda i: (i + blk0, 0, 0)),
            pl.BlockSpec((_NPOS, _EMB), lambda i: (0, 0)),
            pl.BlockSpec((_NB, _EMB), lambda i: (i + blk0, 0)),
        ],
        out_specs=pl.BlockSpec((1, 1, _NB), lambda i: (i, 0, 0)),
        out_shape=jax.ShapeDtypeStruct((nblk, 1, _NB), jnp.int32),
    )(batch3, protos, x)
    return sb3.reshape(nblk * _NB)



_CH = 128
_PER_TILE = _NODES // 32
_STEPS = _PER_TILE // _CH
_ZROWS = _SEG // 16


def _sc_pool_body(chunk_base, chunk_nodes,
                  x_hbm, sb_hbm, z_hbm, out_hbm,
                  rows0, rows1, idx0, idx1, sem0, sem1, acc_sh):
    per_tile = chunk_nodes // 32
    steps = per_tile // _CH
    cid = lax.axis_index("c")
    sid = lax.axis_index("s")
    pltpu.sync_copy(z_hbm, acc_sh.at[pl.ds(sid * _ZROWS, _ZROWS)])
    plsc.subcore_barrier()

    tile0 = cid * (chunk_nodes // 2) + sid * per_tile

    def fire(k, rows, idx, sem):
        b = pl.multiple_of(tile0 + k * _CH, _CH)
        pltpu.async_copy(x_hbm.at[pl.ds(chunk_base + b, _CH)], rows, sem)
        pltpu.async_copy(sb_hbm.at[pl.ds(b, _CH)], idx, sem)

    def drain(k, rows, idx, sem):
        b = pl.multiple_of(tile0 + k * _CH, _CH)
        pltpu.make_async_copy(x_hbm.at[pl.ds(chunk_base + b, _CH)], rows, sem).wait()
        pltpu.make_async_copy(sb_hbm.at[pl.ds(b, _CH)], idx, sem).wait()

    fire(0, rows0, idx0, sem0)

    def step(g, carry):
        bufs = ((rows0, idx0, sem0), (rows1, idx1, sem1))
        for b in (0, 1):
            k = g * 2 + b
            rows, idx, sem = bufs[b]
            nrows, nidx, nsem = bufs[1 - b]
            drain(k, rows, idx, sem)
            if b == 0:
                fire(k + 1, nrows, nidx, nsem)
            else:
                @pl.when(g < steps // 2 - 1)
                def _():
                    fire(k + 1, nrows, nidx, nsem)
            pltpu.sync_copy(rows, acc_sh.at[idx], add=True)
        return carry

    lax.fori_loop(0, steps // 2, step, 0)
    plsc.subcore_barrier()
    off = cid * _SEG + sid * _ZROWS
    pltpu.sync_copy(acc_sh.at[pl.ds(sid * _ZROWS, _ZROWS)],
                    out_hbm.at[pl.ds(off, _ZROWS)])


@functools.cache
def _sc_pool(chunk_base, chunk_nodes):
    return pl.kernel(
        functools.partial(_sc_pool_body, chunk_base, chunk_nodes),
        out_type=jax.ShapeDtypeStruct((2 * _SEG, _EMB), jnp.float32),
        mesh=plsc.VectorSubcoreMesh(core_axis_name="c", subcore_axis_name="s"),
        scratch_types=[
            pltpu.VMEM((_CH, _EMB), jnp.float32),
            pltpu.VMEM((_CH, _EMB), jnp.float32),
            pltpu.VMEM((_CH,), jnp.int32),
            pltpu.VMEM((_CH,), jnp.int32),
            pltpu.SemaphoreType.DMA,
            pltpu.SemaphoreType.DMA,
            pltpu.VMEM_SHARED((_SEG, _EMB), jnp.float32),
        ],
    )



_MB = 512


def _merge_body(*refs):
    o_ref = refs[-1]
    acc = refs[0][...]
    for r in refs[1:-1]:
        acc = acc + r[...]
    o_ref[...] = acc


def _merge(partials):
    in_specs = []
    args = []
    for p in partials:
        in_specs.append(pl.BlockSpec((_MB, _EMB), lambda i: (i, 0)))
        in_specs.append(pl.BlockSpec((_MB, _EMB), lambda i: (i + _SEG // _MB, 0)))
        args += [p, p]
    return pl.pallas_call(
        _merge_body,
        grid=(_SEG // _MB,),
        in_specs=in_specs,
        out_specs=pl.BlockSpec((_MB, _EMB), lambda i: (i, 0)),
        out_shape=jax.ShapeDtypeStruct((_SEG, _EMB), jnp.float32),
    )(*args)


_NCHUNK = 2
_CBLK = _NBLK // _NCHUNK
_CNODES = _NODES // _NCHUNK


def kernel(x, batch, protos):
    batch3 = batch.reshape(_NBLK, 1, _NB)
    zeros = jnp.zeros((_ZROWS, _EMB), jnp.float32)
    sbs = [_assign(x, batch3, protos, c * _CBLK, _CBLK)
           for c in range(_NCHUNK)]
    partials = [_sc_pool(c * _CNODES, _CNODES)(x, sbs[c], zeros)
                for c in range(_NCHUNK)]
    pooled = _merge(partials)
    return pooled.reshape(_GRAPHS, _NPOS * _EMB)

# --- scband reference (transcript-rebuilt; emitter-appended) ---
"""Pipeline reference for scband-semantic-readout-32006096290309 (READ-ONLY COPY).

The authoritative reference and input builder live on the scoring server;
editing this copy changes nothing except your own understanding.
"""

import jax, jax.numpy as jnp
import numpy as np

EMB_DIM = 128
NUM_POSITION = 8
N_NODES = 262144
N_GRAPHS = 1024


def setup_inputs(seed: int = 0) -> dict:
    key = jax.random.key(seed)
    k1, k2, k3 = jax.random.split(key, 3)
    x = jax.random.normal(k1, (N_NODES, EMB_DIM), dtype=jnp.float32)
    batch = jnp.sort(jax.random.randint(k2, (N_NODES,), 0, N_GRAPHS, dtype=jnp.int32))
    # protos: xavier_normal_ init, shape [num_position, emb_dim]
    xavier_std = float(np.sqrt(2.0 / (NUM_POSITION + EMB_DIM)))
    protos = jax.random.normal(k3, (NUM_POSITION, EMB_DIM), dtype=jnp.float32) * xavier_std
    return {"x": x, "batch": batch, "protos": protos}


def _compute_distance_matrix(h, p):
    h_ = jnp.sqrt(jnp.sum(h ** 2, axis=1, keepdims=True))
    p_ = jnp.sqrt(jnp.sum(p ** 2, axis=1, keepdims=True))
    hp_ = jnp.matmul(h_, p_.T)
    hp = jnp.matmul(h, p.T)
    return 1.0 - hp / (hp_ + 1e-12)


def reference(x, batch, protos):
    size = N_GRAPHS
    # get_alignment: one-hot of argmin over proto distances
    D = _compute_distance_matrix(x, protos)
    amin = jnp.argmin(D, axis=1)
    A = jnp.zeros_like(D).at[jnp.arange(D.shape[0]), amin].set(1.0)
    # sbatch = num_position * batch + argmax(A, dim=1)
    sbatch = NUM_POSITION * batch + jnp.argmax(A, axis=1).astype(batch.dtype)
    ssize = NUM_POSITION * size
    # global_add_pool == scatter-add / segment_sum
    pooled = jax.ops.segment_sum(x, sbatch, num_segments=ssize)
    out = pooled.reshape(size, NUM_POSITION, -1)
    return out.reshape(size, -1)

if __name__ == "__main__":
    import jax
    _d = setup_inputs()
    print(jax.jit(kernel)(*tuple(_d.values())))

</pallas_src>

<mosaic_0001>
#map = affine_map<(d0, d1) -> (0, 0)>
#map1 = affine_map<(d0, d1) -> (0)>
module attributes {stable_mosaic.version = 14 : i64} {
  func.func @_sc_pool_body(%arg0: i32, %arg1: i32, %arg2: memref<262144x128xf32, #tpu.memory_space<hbm>>, %arg3: memref<131072xi32, #tpu.memory_space<hbm>>, %arg4: memref<512x128xf32, #tpu.memory_space<hbm>>, %arg5: memref<16384x128xf32, #tpu.memory_space<hbm>>, %arg6: memref<128x128xf32, #tpu.memory_space<vmem>>, %arg7: memref<128x128xf32, #tpu.memory_space<vmem>>, %arg8: memref<128xi32, #tpu.memory_space<vmem>>, %arg9: memref<128xi32, #tpu.memory_space<vmem>>, %arg10: memref<!tpu.dma_semaphore, #tpu.memory_space<semaphore_mem>>, %arg11: memref<!tpu.dma_semaphore, #tpu.memory_space<semaphore_mem>>, %arg12: memref<8192x128xf32, #tpu.memory_space<vmem_shared>>) attributes {dimension_semantics = [#tpu.dimension_semantics<core_parallel>, #tpu.dimension_semantics<subcore_parallel>], iteration_bounds = array<i64: 2, 16>, scalar_prefetch = 0 : i64, scratch_operands = 7 : i64, tpu.core_type = #tpu.core_type<sc_vector_subcore>, window_params = [{transform_indices = #map}, {transform_indices = #map1}, {transform_indices = #map}, {transform_indices = #map}]} {
    %mul3A = arith.constant 512 : i32
    %mul3A_0 = arith.muli %arg1, %mul3A : i32
    "tpu.region"() ({
      %run_scoped3A = tpu.sem_alloc : memref<!tpu.dma_semaphore, #tpu.memory_space<semaphore_mem>>
      %dma_start3A_27 = arith.constant 0 : i32
      %dma_start3A_28 = tpu.memref_slice %arg12[%mul3A_0, %dma_start3A_27] : memref<8192x128xf32, #tpu.memory_space<vmem_shared>> -> memref<512x128xf32, #tpu.memory_space<vmem_shared>>
      tpu.enqueue_dma source(%arg4 : memref<512x128xf32, #tpu.memory_space<hbm>>) target(%dma_start3A_28 : memref<512x128xf32, #tpu.memory_space<vmem_shared>>) target_semaphore(%run_scoped3A : memref<!tpu.dma_semaphore, #tpu.memory_space<semaphore_mem>>)
      %dma_wait3A = arith.constant 0 : i32
      %dma_wait3A_29 = tpu.memref_slice %arg12[%mul3A_0, %dma_wait3A] : memref<8192x128xf32, #tpu.memory_space<vmem_shared>> -> memref<512x128xf32, #tpu.memory_space<vmem_shared>>
      tpu.wait_dma2 semaphore(%run_scoped3A : memref<!tpu.dma_semaphore, #tpu.memory_space<semaphore_mem>>) src(%arg4 : memref<512x128xf32, #tpu.memory_space<hbm>>) dst(%dma_wait3A_29 : memref<512x128xf32, #tpu.memory_space<vmem_shared>>)
      tpu.yield
    }) : () -> ()
    %barrier3A = arith.constant 0 : index
    tpu.barrier barrier_id(%barrier3A)
    %mul3A_1 = arith.constant 65536 : i32
    %mul3A_2 = arith.muli %arg0, %mul3A_1 : i32
    %mul3A_3 = arith.constant 4096 : i32
    %mul3A_4 = arith.muli %arg1, %mul3A_3 : i32
    %add3A = arith.addi %mul3A_2, %mul3A_4 : i32
    %add3A_5 = arith.constant 0 : i32
    %add3A_6 = arith.addi %add3A, %add3A_5 : i32
    %multiple_of3A = tpu.assume_multiple %add3A_6, 128 : i32
    %add3A_7 = arith.constant 131072 : i32
    %add3A_8 = arith.addi %add3A_7, %multiple_of3A : i32
    %dma_start3A = arith.constant 0 : i32
    %dma_start3A_9 = tpu.memref_slice %arg2[%add3A_8, %dma_start3A] : memref<262144x128xf32, #tpu.memory_space<hbm>> -> memref<128x128xf32, #tpu.memory_space<hbm>>
    %dma_start3A_10 = arith.constant 0 : i32
    %dma_start3A_11 = tpu.memref_slice %arg2[%add3A_8, %dma_start3A_10] : memref<262144x128xf32, #tpu.memory_space<hbm>> -> memref<128x128xf32, #tpu.memory_space<hbm>>
    tpu.enqueue_dma source(%dma_start3A_11 : memref<128x128xf32, #tpu.memory_space<hbm>>) target(%arg6 : memref<128x128xf32, #tpu.memory_space<vmem>>) target_semaphore(%arg10 : memref<!tpu.dma_semaphore, #tpu.memory_space<semaphore_mem>>)
    %dma_start3A_12 = tpu.memref_slice %arg3[%multiple_of3A] : memref<131072xi32, #tpu.memory_space<hbm>> -> memref<128xi32, #tpu.memory_space<hbm>>
    %dma_start3A_13 = tpu.memref_slice %arg3[%multiple_of3A] : memref<131072xi32, #tpu.memory_space<hbm>> -> memref<128xi32, #tpu.memory_space<hbm>>
    tpu.enqueue_dma source(%dma_start3A_13 : memref<128xi32, #tpu.memory_space<hbm>>) target(%arg8 : memref<128xi32, #tpu.memory_space<vmem>>) target_semaphore(%arg10 : memref<!tpu.dma_semaphore, #tpu.memory_space<semaphore_mem>>)
    %scan3A = arith.constant 0 : i32
    %scan3A_14 = arith.constant 0 : i32
    %scan3A_15 = arith.constant 16 : i32
    %scan3A_16 = arith.addi %scan3A_14, %scan3A_15 : i32
    %scan3A_17 = arith.constant 1 : i32
    scf.for %scan3A_27 = %scan3A_14 to %scan3A_16 step %scan3A_17  : i32 {
      %mul3A_28 = arith.constant 2 : i32
      %mul3A_29 = arith.muli %scan3A_27, %mul3A_28 : i32
      %add3A_30 = arith.constant 0 : i32
      %add3A_31 = arith.addi %mul3A_29, %add3A_30 : i32
      %mul3A_32 = arith.constant 128 : i32
      %mul3A_33 = arith.muli %add3A_31, %mul3A_32 : i32
      %add3A_34 = arith.addi %add3A, %mul3A_33 : i32
      %multiple_of3A_35 = tpu.assume_multiple %add3A_34, 128 : i32
      %add3A_36 = arith.constant 131072 : i32
      %add3A_37 = arith.addi %add3A_36, %multiple_of3A_35 : i32
      %dma_wait3A = arith.constant 0 : i32
      %dma_wait3A_38 = tpu.memref_slice %arg2[%add3A_37, %dma_wait3A] : memref<262144x128xf32, #tpu.memory_space<hbm>> -> memref<128x128xf32, #tpu.memory_space<hbm>>
      %dma_wait3A_39 = arith.constant 0 : i32
      %dma_wait3A_40 = tpu.memref_slice %arg2[%add3A_37, %dma_wait3A_39] : memref<262144x128xf32, #tpu.memory_space<hbm>> -> memref<128x128xf32, #tpu.memory_space<hbm>>
      tpu.wait_dma2 semaphore(%arg10 : memref<!tpu.dma_semaphore, #tpu.memory_space<semaphore_mem>>) src(%dma_wait3A_40 : memref<128x128xf32, #tpu.memory_space<hbm>>) dst(%arg6 : memref<128x128xf32, #tpu.memory_space<vmem>>)
      %dma_wait3A_41 = tpu.memref_slice %arg3[%multiple_of3A_35] : memref<131072xi32, #tpu.memory_space<hbm>> -> memref<128xi32, #tpu.memory_space<hbm>>
      %dma_wait3A_42 = tpu.memref_slice %arg3[%multiple_of3A_35] : memref<131072xi32, #tpu.memory_space<hbm>> -> memref<128xi32, #tpu.memory_space<hbm>>
      tpu.wait_dma2 semaphore(%arg10 : memref<!tpu.dma_semaphore, #tpu.memory_space<semaphore_mem>>) src(%dma_wait3A_42 : memref<128xi32, #tpu.memory_space<hbm>>) dst(%arg8 : memref<128xi32, #tpu.memory_space<vmem>>)
      %add3A_43 = arith.constant 1 : i32
      %add3A_44 = arith.addi %add3A_31, %add3A_43 : i32
      %mul3A_45 = arith.constant 128 : i32
      %mul3A_46 = arith.muli %add3A_44, %mul3A_45 : i32
      %add3A_47 = arith.addi %add3A, %mul3A_46 : i32
      %multiple_of3A_48 = tpu.assume_multiple %add3A_47, 128 : i32
      %add3A_49 = arith.constant 131072 : i32
      %add3A_50 = arith.addi %add3A_49, %multiple_of3A_48 : i32
      %dma_start3A_51 = arith.constant 0 : i32
      %dma_start3A_52 = tpu.memref_slice %arg2[%add3A_50, %dma_start3A_51] : memref<262144x128xf32, #tpu.memory_space<hbm>> -> memref<128x128xf32, #tpu.memory_space<hbm>>
      %dma_start3A_53 = arith.constant 0 : i32
      %dma_start3A_54 = tpu.memref_slice %arg2[%add3A_50, %dma_start3A_53] : memref<262144x128xf32, #tpu.memory_space<hbm>> -> memref<128x128xf32, #tpu.memory_space<hbm>>
      tpu.enqueue_dma source(%dma_start3A_54 : memref<128x128xf32, #tpu.memory_space<hbm>>) target(%arg7 : memref<128x128xf32, #tpu.memory_space<vmem>>) target_semaphore(%arg11 : memref<!tpu.dma_semaphore, #tpu.memory_space<semaphore_mem>>)
      %dma_start3A_55 = tpu.memref_slice %arg3[%multiple_of3A_48] : memref<131072xi32, #tpu.memory_space<hbm>> -> memref<128xi32, #tpu.memory_space<hbm>>
      %dma_start3A_56 = tpu.memref_slice %arg3[%multiple_of3A_48] : memref<131072xi32, #tpu.memory_space<hbm>> -> memref<128xi32, #tpu.memory_space<hbm>>
      tpu.enqueue_dma source(%dma_start3A_56 : memref<128xi32, #tpu.memory_space<hbm>>) target(%arg9 : memref<128xi32, #tpu.memory_space<vmem>>) target_semaphore(%arg11 : memref<!tpu.dma_semaphore, #tpu.memory_space<semaphore_mem>>)
      "tpu.region"() ({
        %run_scoped3A = tpu.sem_alloc : memref<!tpu.dma_semaphore, #tpu.memory_space<semaphore_mem>>
        %dma_start3A_75 = arith.constant 0 : i32
        %dma_start3A_76 = arith.constant 0 : i32
        %dma_start3A_77 = tpu.memref_slice %arg12[%dma_start3A_75, %dma_start3A_76] : memref<8192x128xf32, #tpu.memory_space<vmem_shared>> -> memref<8192x128xf32, #tpu.memory_space<vmem_shared>>
        tpu.enqueue_indirect_dma source(%arg6 : memref<128x128xf32, #tpu.memory_space<vmem>>) target(%dma_start3A_77 : memref<8192x128xf32, #tpu.memory_space<vmem_shared>>) offsets(%arg8 : memref<128xi32, #tpu.memory_space<vmem>>) semaphore(%run_scoped3A : memref<!tpu.dma_semaphore, #tpu.memory_space<semaphore_mem>>) {add = true}
        %dma_wait3A_78 = arith.constant 0 : i32
        %dma_wait3A_79 = arith.constant 0 : i32
        %dma_wait3A_80 = tpu.memref_slice %arg12[%dma_wait3A_78, %dma_wait3A_79] : memref<8192x128xf32, #tpu.memory_space<vmem_shared>> -> memref<8192x128xf32, #tpu.memory_space<vmem_shared>>
        tpu.wait_indirect_dma semaphore(%run_scoped3A : memref<!tpu.dma_semaphore, #tpu.memory_space<semaphore_mem>>) src(%arg6 : memref<128x128xf32, #tpu.memory_space<vmem>>) dst(%dma_wait3A_80 : memref<8192x128xf32, #tpu.memory_space<vmem_shared>>)
        tpu.yield
      }) : () -> ()
      %mul3A_57 = arith.constant 2 : i32
      %mul3A_58 = arith.muli %scan3A_27, %mul3A_57 : i32
      %add3A_59 = arith.constant 1 : i32
      %add3A_60 = arith.addi %mul3A_58, %add3A_59 : i32
      %mul3A_61 = arith.constant 128 : i32
      %mul3A_62 = arith.muli %add3A_60, %mul3A_61 : i32
      %add3A_63 = arith.addi %add3A, %mul3A_62 : i32
      %multiple_of3A_64 = tpu.assume_multiple %add3A_63, 128 : i32
      %add3A_65 = arith.constant 131072 : i32
      %add3A_66 = arith.addi %add3A_65, %multiple_of3A_64 : i32
      %dma_wait3A_67 = arith.constant 0 : i32
      %dma_wait3A_68 = tpu.memref_slice %arg2[%add3A_66, %dma_wait3A_67] : memref<262144x128xf32, #tpu.memory_space<hbm>> -> memref<128x128xf32, #tpu.memory_space<hbm>>
      %dma_wait3A_69 = arith.constant 0 : i32
      %dma_wait3A_70 = tpu.memref_slice %arg2[%add3A_66, %dma_wait3A_69] : memref<262144x128xf32, #tpu.memory_space<hbm>> -> memref<128x128xf32, #tpu.memory_space<hbm>>
      tpu.wait_dma2 semaphore(%arg11 : memref<!tpu.dma_semaphore, #tpu.memory_space<semaphore_mem>>) src(%dma_wait3A_70 : memref<128x128xf32, #tpu.memory_space<hbm>>) dst(%arg7 : memref<128x128xf32, #tpu.memory_space<vmem>>)
      %dma_wait3A_71 = tpu.memref_slice %arg3[%multiple_of3A_64] : memref<131072xi32, #tpu.memory_space<hbm>> -> memref<128xi32, #tpu.memory_space<hbm>>
      %dma_wait3A_72 = tpu.memref_slice %arg3[%multiple_of3A_64] : memref<131072xi32, #tpu.memory_space<hbm>> -> memref<128xi32, #tpu.memory_space<hbm>>
      tpu.wait_dma2 semaphore(%arg11 : memref<!tpu.dma_semaphore, #tpu.memory_space<semaphore_mem>>) src(%dma_wait3A_72 : memref<128xi32, #tpu.memory_space<hbm>>) dst(%arg9 : memref<128xi32, #tpu.memory_space<vmem>>)
      %lt3A = arith.constant 15 : i32
      %lt3A_73 = arith.cmpi slt, %scan3A_27, %lt3A : i32
      %convert_element_type3A = arith.extui %lt3A_73 : i1 to i32
      %cond3A = arith.constant 0 : i32
      %cond3A_74 = arith.cmpi ne, %convert_element_type3A, %cond3A : i32
      scf.if %cond3A_74 {
        %add3A_75 = arith.constant 1 : i32
        %add3A_76 = arith.addi %add3A_60, %add3A_75 : i32
        %mul3A_77 = arith.constant 128 : i32
        %mul3A_78 = arith.muli %add3A_76, %mul3A_77 : i32
        %add3A_79 = arith.addi %add3A, %mul3A_78 : i32
        %multiple_of3A_80 = tpu.assume_multiple %add3A_79, 128 : i32
        %add3A_81 = arith.constant 131072 : i32
        %add3A_82 = arith.addi %add3A_81, %multiple_of3A_80 : i32
        %dma_start3A_83 = arith.constant 0 : i32
        %dma_start3A_84 = tpu.memref_slice %arg2[%add3A_82, %dma_start3A_83] : memref<262144x128xf32, #tpu.memory_space<hbm>> -> memref<128x128xf32, #tpu.memory_space<hbm>>
        %dma_start3A_85 = arith.constant 0 : i32
        %dma_start3A_86 = tpu.memref_slice %arg2[%add3A_82, %dma_start3A_85] : memref<262144x128xf32, #tpu.memory_space<hbm>> -> memref<128x128xf32, #tpu.memory_space<hbm>>
        tpu.enqueue_dma source(%dma_start3A_86 : memref<128x128xf32, #tpu.memory_space<hbm>>) target(%arg6 : memref<128x128xf32, #tpu.memory_space<vmem>>) target_semaphore(%arg10 : memref<!tpu.dma_semaphore, #tpu.memory_space<semaphore_mem>>)
        %dma_start3A_87 = tpu.memref_slice %arg3[%multiple_of3A_80] : memref<131072xi32, #tpu.memory_space<hbm>> -> memref<128xi32, #tpu.memory_space<hbm>>
        %dma_start3A_88 = tpu.memref_slice %arg3[%multiple_of3A_80] : memref<131072xi32, #tpu.memory_space<hbm>> -> memref<128xi32, #tpu.memory_space<hbm>>
        tpu.enqueue_dma source(%dma_start3A_88 : memref<128xi32, #tpu.memory_space<hbm>>) target(%arg8 : memref<128xi32, #tpu.memory_space<vmem>>) target_semaphore(%arg10 : memref<!tpu.dma_semaphore, #tpu.memory_space<semaphore_mem>>)
      } else {
      }
      "tpu.region"() ({
        %run_scoped3A = tpu.sem_alloc : memref<!tpu.dma_semaphore, #tpu.memory_space<semaphore_mem>>
        %dma_start3A_75 = arith.constant 0 : i32
        %dma_start3A_76 = arith.constant 0 : i32
        %dma_start3A_77 = tpu.memref_slice %arg12[%dma_start3A_75, %dma_start3A_76] : memref<8192x128xf32, #tpu.memory_space<vmem_shared>> -> memref<8192x128xf32, #tpu.memory_space<vmem_shared>>
        tpu.enqueue_indirect_dma source(%arg7 : memref<128x128xf32, #tpu.memory_space<vmem>>) target(%dma_start3A_77 : memref<8192x128xf32, #tpu.memory_space<vmem_shared>>) offsets(%arg9 : memref<128xi32, #tpu.memory_space<vmem>>) semaphore(%run_scoped3A : memref<!tpu.dma_semaphore, #tpu.memory_space<semaphore_mem>>) {add = true}
        %dma_wait3A_78 = arith.constant 0 : i32
        %dma_wait3A_79 = arith.constant 0 : i32
        %dma_wait3A_80 = tpu.memref_slice %arg12[%dma_wait3A_78, %dma_wait3A_79] : memref<8192x128xf32, #tpu.memory_space<vmem_shared>> -> memref<8192x128xf32, #tpu.memory_space<vmem_shared>>
        tpu.wait_indirect_dma semaphore(%run_scoped3A : memref<!tpu.dma_semaphore, #tpu.memory_space<semaphore_mem>>) src(%arg7 : memref<128x128xf32, #tpu.memory_space<vmem>>) dst(%dma_wait3A_80 : memref<8192x128xf32, #tpu.memory_space<vmem_shared>>)
        tpu.yield
      }) : () -> ()
    }
    %scan3A_18 = arith.constant 16 : i32
    %barrier3A_19 = arith.constant 0 : index
    tpu.barrier barrier_id(%barrier3A_19)
    %mul3A_20 = arith.constant 8192 : i32
    %mul3A_21 = arith.muli %arg0, %mul3A_20 : i32
    %mul3A_22 = arith.constant 512 : i32
    %mul3A_23 = arith.muli %arg1, %mul3A_22 : i32
    %add3A_24 = arith.addi %mul3A_21, %mul3A_23 : i32
    %mul3A_25 = arith.constant 512 : i32
    %mul3A_26 = arith.muli %arg1, %mul3A_25 : i32
    "tpu.region"() ({
      %run_scoped3A = tpu.sem_alloc : memref<!tpu.dma_semaphore, #tpu.memory_space<semaphore_mem>>
      %dma_start3A_27 = arith.constant 0 : i32
      %dma_start3A_28 = tpu.memref_slice %arg5[%add3A_24, %dma_start3A_27] : memref<16384x128xf32, #tpu.memory_space<hbm>> -> memref<512x128xf32, #tpu.memory_space<hbm>>
      %dma_start3A_29 = arith.constant 0 : i32
      %dma_start3A_30 = tpu.memref_slice %arg12[%mul3A_26, %dma_start3A_29] : memref<8192x128xf32, #tpu.memory_space<vmem_shared>> -> memref<512x128xf32, #tpu.memory_space<vmem_shared>>
      tpu.enqueue_dma source(%dma_start3A_30 : memref<512x128xf32, #tpu.memory_space<vmem_shared>>) target(%dma_start3A_28 : memref<512x128xf32, #tpu.memory_space<hbm>>) target_semaphore(%run_scoped3A : memref<!tpu.dma_semaphore, #tpu.memory_space<semaphore_mem>>)
      %dma_wait3A = arith.constant 0 : i32
      %dma_wait3A_31 = tpu.memref_slice %arg5[%add3A_24, %dma_wait3A] : memref<16384x128xf32, #tpu.memory_space<hbm>> -> memref<512x128xf32, #tpu.memory_space<hbm>>
      %dma_wait3A_32 = arith.constant 0 : i32
      %dma_wait3A_33 = tpu.memref_slice %arg12[%mul3A_26, %dma_wait3A_32] : memref<8192x128xf32, #tpu.memory_space<vmem_shared>> -> memref<512x128xf32, #tpu.memory_space<vmem_shared>>
      tpu.wait_dma2 semaphore(%run_scoped3A : memref<!tpu.dma_semaphore, #tpu.memory_space<semaphore_mem>>) src(%dma_wait3A_33 : memref<512x128xf32, #tpu.memory_space<vmem_shared>>) dst(%dma_wait3A_31 : memref<512x128xf32, #tpu.memory_space<hbm>>)
      tpu.yield
    }) : () -> ()
    return
  }
}

#map = affine_map<(d0, d1) -> (0, 0)>
#map1 = affine_map<(d0, d1) -> (0)>
module attributes {stable_mosaic.version = 14 : i64} {
  func.func @_sc_pool_body(%arg0: i32, %arg1: i32, %arg2: memref<262144x128xf32, #tpu.memory_space<hbm>>, %arg3: memref<131072xi32, #tpu.memory_space<hbm>>, %arg4: memref<512x128xf32, #tpu.memory_space<hbm>>, %arg5: memref<16384x128xf32, #tpu.memory_space<hbm>>, %arg6: memref<128x128xf32, #tpu.memory_space<vmem>>, %arg7: memref<128x128xf32, #tpu.memory_space<vmem>>, %arg8: memref<128xi32, #tpu.memory_space<vmem>>, %arg9: memref<128xi32, #tpu.memory_space<vmem>>, %arg10: memref<!tpu.dma_semaphore, #tpu.memory_space<semaphore_mem>>, %arg11: memref<!tpu.dma_semaphore, #tpu.memory_space<semaphore_mem>>, %arg12: memref<8192x128xf32, #tpu.memory_space<vmem_shared>>) attributes {dimension_semantics = [#tpu.dimension_semantics<core_parallel>, #tpu.dimension_semantics<subcore_parallel>], iteration_bounds = array<i64: 2, 16>, scalar_prefetch = 0 : i64, scratch_operands = 7 : i64, tpu.core_type = #tpu.core_type<sc_vector_subcore>, window_params = [{transform_indices = #map}, {transform_indices = #map1}, {transform_indices = #map}, {transform_indices = #map}]} {
    %mul3A = arith.constant 512 : i32
    %mul3A_0 = arith.muli %arg1, %mul3A : i32
    "tpu.region"() ({
      %run_scoped3A = tpu.sem_alloc : memref<!tpu.dma_semaphore, #tpu.memory_space<semaphore_mem>>
      %dma_start3A_27 = arith.constant 0 : i32
      %dma_start3A_28 = tpu.memref_slice %arg12[%mul3A_0, %dma_start3A_27] : memref<8192x128xf32, #tpu.memory_space<vmem_shared>> -> memref<512x128xf32, #tpu.memory_space<vmem_shared>>
      tpu.enqueue_dma source(%arg4 : memref<512x128xf32, #tpu.memory_space<hbm>>) target(%dma_start3A_28 : memref<512x128xf32, #tpu.memory_space<vmem_shared>>) target_semaphore(%run_scoped3A : memref<!tpu.dma_semaphore, #tpu.memory_space<semaphore_mem>>)
      %dma_wait3A = arith.constant 0 : i32
      %dma_wait3A_29 = tpu.memref_slice %arg12[%mul3A_0, %dma_wait3A] : memref<8192x128xf32, #tpu.memory_space<vmem_shared>> -> memref<512x128xf32, #tpu.memory_space<vmem_shared>>
      tpu.wait_dma2 semaphore(%run_scoped3A : memref<!tpu.dma_semaphore, #tpu.memory_space<semaphore_mem>>) src(%arg4 : memref<512x128xf32, #tpu.memory_space<hbm>>) dst(%dma_wait3A_29 : memref<512x128xf32, #tpu.memory_space<vmem_shared>>)
      tpu.yield
    }) : () -> ()
    %barrier3A = arith.constant 0 : index
    tpu.barrier barrier_id(%barrier3A)
    %mul3A_1 = arith.constant 65536 : i32
    %mul3A_2 = arith.muli %arg0, %mul3A_1 : i32
    %mul3A_3 = arith.constant 4096 : i32
    %mul3A_4 = arith.muli %arg1, %mul3A_3 : i32
    %add3A = arith.addi %mul3A_2, %mul3A_4 : i32
    %add3A_5 = arith.constant 0 : i32
    %add3A_6 = arith.addi %add3A, %add3A_5 : i32
    %multiple_of3A = tpu.assume_multiple %add3A_6, 128 : i32
    %add3A_7 = arith.constant 0 : i32
    %add3A_8 = arith.addi %add3A_7, %multiple_of3A : i32
    %dma_start3A = arith.constant 0 : i32
    %dma_start3A_9 = tpu.memref_slice %arg2[%add3A_8, %dma_start3A] : memref<262144x128xf32, #tpu.memory_space<hbm>> -> memref<128x128xf32, #tpu.memory_space<hbm>>
    %dma_start3A_10 = arith.constant 0 : i32
    %dma_start3A_11 = tpu.memref_slice %arg2[%add3A_8, %dma_start3A_10] : memref<262144x128xf32, #tpu.memory_space<hbm>> -> memref<128x128xf32, #tpu.memory_space<hbm>>
    tpu.enqueue_dma source(%dma_start3A_11 : memref<128x128xf32, #tpu.memory_space<hbm>>) target(%arg6 : memref<128x128xf32, #tpu.memory_space<vmem>>) target_semaphore(%arg10 : memref<!tpu.dma_semaphore, #tpu.memory_space<semaphore_mem>>)
    %dma_start3A_12 = tpu.memref_slice %arg3[%multiple_of3A] : memref<131072xi32, #tpu.memory_space<hbm>> -> memref<128xi32, #tpu.memory_space<hbm>>
    %dma_start3A_13 = tpu.memref_slice %arg3[%multiple_of3A] : memref<131072xi32, #tpu.memory_space<hbm>> -> memref<128xi32, #tpu.memory_space<hbm>>
    tpu.enqueue_dma source(%dma_start3A_13 : memref<128xi32, #tpu.memory_space<hbm>>) target(%arg8 : memref<128xi32, #tpu.memory_space<vmem>>) target_semaphore(%arg10 : memref<!tpu.dma_semaphore, #tpu.memory_space<semaphore_mem>>)
    %scan3A = arith.constant 0 : i32
    %scan3A_14 = arith.constant 0 : i32
    %scan3A_15 = arith.constant 16 : i32
    %scan3A_16 = arith.addi %scan3A_14, %scan3A_15 : i32
    %scan3A_17 = arith.constant 1 : i32
    scf.for %scan3A_27 = %scan3A_14 to %scan3A_16 step %scan3A_17  : i32 {
      %mul3A_28 = arith.constant 2 : i32
      %mul3A_29 = arith.muli %scan3A_27, %mul3A_28 : i32
      %add3A_30 = arith.constant 0 : i32
      %add3A_31 = arith.addi %mul3A_29, %add3A_30 : i32
      %mul3A_32 = arith.constant 128 : i32
      %mul3A_33 = arith.muli %add3A_31, %mul3A_32 : i32
      %add3A_34 = arith.addi %add3A, %mul3A_33 : i32
      %multiple_of3A_35 = tpu.assume_multiple %add3A_34, 128 : i32
      %add3A_36 = arith.constant 0 : i32
      %add3A_37 = arith.addi %add3A_36, %multiple_of3A_35 : i32
      %dma_wait3A = arith.constant 0 : i32
      %dma_wait3A_38 = tpu.memref_slice %arg2[%add3A_37, %dma_wait3A] : memref<262144x128xf32, #tpu.memory_space<hbm>> -> memref<128x128xf32, #tpu.memory_space<hbm>>
      %dma_wait3A_39 = arith.constant 0 : i32
      %dma_wait3A_40 = tpu.memref_slice %arg2[%add3A_37, %dma_wait3A_39] : memref<262144x128xf32, #tpu.memory_space<hbm>> -> memref<128x128xf32, #tpu.memory_space<hbm>>
      tpu.wait_dma2 semaphore(%arg10 : memref<!tpu.dma_semaphore, #tpu.memory_space<semaphore_mem>>) src(%dma_wait3A_40 : memref<128x128xf32, #tpu.memory_space<hbm>>) dst(%arg6 : memref<128x128xf32, #tpu.memory_space<vmem>>)
      %dma_wait3A_41 = tpu.memref_slice %arg3[%multiple_of3A_35] : memref<131072xi32, #tpu.memory_space<hbm>> -> memref<128xi32, #tpu.memory_space<hbm>>
      %dma_wait3A_42 = tpu.memref_slice %arg3[%multiple_of3A_35] : memref<131072xi32, #tpu.memory_space<hbm>> -> memref<128xi32, #tpu.memory_space<hbm>>
      tpu.wait_dma2 semaphore(%arg10 : memref<!tpu.dma_semaphore, #tpu.memory_space<semaphore_mem>>) src(%dma_wait3A_42 : memref<128xi32, #tpu.memory_space<hbm>>) dst(%arg8 : memref<128xi32, #tpu.memory_space<vmem>>)
      %add3A_43 = arith.constant 1 : i32
      %add3A_44 = arith.addi %add3A_31, %add3A_43 : i32
      %mul3A_45 = arith.constant 128 : i32
      %mul3A_46 = arith.muli %add3A_44, %mul3A_45 : i32
      %add3A_47 = arith.addi %add3A, %mul3A_46 : i32
      %multiple_of3A_48 = tpu.assume_multiple %add3A_47, 128 : i32
      %add3A_49 = arith.constant 0 : i32
      %add3A_50 = arith.addi %add3A_49, %multiple_of3A_48 : i32
      %dma_start3A_51 = arith.constant 0 : i32
      %dma_start3A_52 = tpu.memref_slice %arg2[%add3A_50, %dma_start3A_51] : memref<262144x128xf32, #tpu.memory_space<hbm>> -> memref<128x128xf32, #tpu.memory_space<hbm>>
      %dma_start3A_53 = arith.constant 0 : i32
      %dma_start3A_54 = tpu.memref_slice %arg2[%add3A_50, %dma_start3A_53] : memref<262144x128xf32, #tpu.memory_space<hbm>> -> memref<128x128xf32, #tpu.memory_space<hbm>>
      tpu.enqueue_dma source(%dma_start3A_54 : memref<128x128xf32, #tpu.memory_space<hbm>>) target(%arg7 : memref<128x128xf32, #tpu.memory_space<vmem>>) target_semaphore(%arg11 : memref<!tpu.dma_semaphore, #tpu.memory_space<semaphore_mem>>)
      %dma_start3A_55 = tpu.memref_slice %arg3[%multiple_of3A_48] : memref<131072xi32, #tpu.memory_space<hbm>> -> memref<128xi32, #tpu.memory_space<hbm>>
      %dma_start3A_56 = tpu.memref_slice %arg3[%multiple_of3A_48] : memref<131072xi32, #tpu.memory_space<hbm>> -> memref<128xi32, #tpu.memory_space<hbm>>
      tpu.enqueue_dma source(%dma_start3A_56 : memref<128xi32, #tpu.memory_space<hbm>>) target(%arg9 : memref<128xi32, #tpu.memory_space<vmem>>) target_semaphore(%arg11 : memref<!tpu.dma_semaphore, #tpu.memory_space<semaphore_mem>>)
      "tpu.region"() ({
        %run_scoped3A = tpu.sem_alloc : memref<!tpu.dma_semaphore, #tpu.memory_space<semaphore_mem>>
        %dma_start3A_75 = arith.constant 0 : i32
        %dma_start3A_76 = arith.constant 0 : i32
        %dma_start3A_77 = tpu.memref_slice %arg12[%dma_start3A_75, %dma_start3A_76] : memref<8192x128xf32, #tpu.memory_space<vmem_shared>> -> memref<8192x128xf32, #tpu.memory_space<vmem_shared>>
        tpu.enqueue_indirect_dma source(%arg6 : memref<128x128xf32, #tpu.memory_space<vmem>>) target(%dma_start3A_77 : memref<8192x128xf32, #tpu.memory_space<vmem_shared>>) offsets(%arg8 : memref<128xi32, #tpu.memory_space<vmem>>) semaphore(%run_scoped3A : memref<!tpu.dma_semaphore, #tpu.memory_space<semaphore_mem>>) {add = true}
        %dma_wait3A_78 = arith.constant 0 : i32
        %dma_wait3A_79 = arith.constant 0 : i32
        %dma_wait3A_80 = tpu.memref_slice %arg12[%dma_wait3A_78, %dma_wait3A_79] : memref<8192x128xf32, #tpu.memory_space<vmem_shared>> -> memref<8192x128xf32, #tpu.memory_space<vmem_shared>>
        tpu.wait_indirect_dma semaphore(%run_scoped3A : memref<!tpu.dma_semaphore, #tpu.memory_space<semaphore_mem>>) src(%arg6 : memref<128x128xf32, #tpu.memory_space<vmem>>) dst(%dma_wait3A_80 : memref<8192x128xf32, #tpu.memory_space<vmem_shared>>)
        tpu.yield
      }) : () -> ()
      %mul3A_57 = arith.constant 2 : i32
      %mul3A_58 = arith.muli %scan3A_27, %mul3A_57 : i32
      %add3A_59 = arith.constant 1 : i32
      %add3A_60 = arith.addi %mul3A_58, %add3A_59 : i32
      %mul3A_61 = arith.constant 128 : i32
      %mul3A_62 = arith.muli %add3A_60, %mul3A_61 : i32
      %add3A_63 = arith.addi %add3A, %mul3A_62 : i32
      %multiple_of3A_64 = tpu.assume_multiple %add3A_63, 128 : i32
      %add3A_65 = arith.constant 0 : i32
      %add3A_66 = arith.addi %add3A_65, %multiple_of3A_64 : i32
      %dma_wait3A_67 = arith.constant 0 : i32
      %dma_wait3A_68 = tpu.memref_slice %arg2[%add3A_66, %dma_wait3A_67] : memref<262144x128xf32, #tpu.memory_space<hbm>> -> memref<128x128xf32, #tpu.memory_space<hbm>>
      %dma_wait3A_69 = arith.constant 0 : i32
      %dma_wait3A_70 = tpu.memref_slice %arg2[%add3A_66, %dma_wait3A_69] : memref<262144x128xf32, #tpu.memory_space<hbm>> -> memref<128x128xf32, #tpu.memory_space<hbm>>
      tpu.wait_dma2 semaphore(%arg11 : memref<!tpu.dma_semaphore, #tpu.memory_space<semaphore_mem>>) src(%dma_wait3A_70 : memref<128x128xf32, #tpu.memory_space<hbm>>) dst(%arg7 : memref<128x128xf32, #tpu.memory_space<vmem>>)
      %dma_wait3A_71 = tpu.memref_slice %arg3[%multiple_of3A_64] : memref<131072xi32, #tpu.memory_space<hbm>> -> memref<128xi32, #tpu.memory_space<hbm>>
      %dma_wait3A_72 = tpu.memref_slice %arg3[%multiple_of3A_64] : memref<131072xi32, #tpu.memory_space<hbm>> -> memref<128xi32, #tpu.memory_space<hbm>>
      tpu.wait_dma2 semaphore(%arg11 : memref<!tpu.dma_semaphore, #tpu.memory_space<semaphore_mem>>) src(%dma_wait3A_72 : memref<128xi32, #tpu.memory_space<hbm>>) dst(%arg9 : memref<128xi32, #tpu.memory_space<vmem>>)
      %lt3A = arith.constant 15 : i32
      %lt3A_73 = arith.cmpi slt, %scan3A_27, %lt3A : i32
      %convert_element_type3A = arith.extui %lt3A_73 : i1 to i32
      %cond3A = arith.constant 0 : i32
      %cond3A_74 = arith.cmpi ne, %convert_element_type3A, %cond3A : i32
      scf.if %cond3A_74 {
        %add3A_75 = arith.constant 1 : i32
        %add3A_76 = arith.addi %add3A_60, %add3A_75 : i32
        %mul3A_77 = arith.constant 128 : i32
        %mul3A_78 = arith.muli %add3A_76, %mul3A_77 : i32
        %add3A_79 = arith.addi %add3A, %mul3A_78 : i32
        %multiple_of3A_80 = tpu.assume_multiple %add3A_79, 128 : i32
        %add3A_81 = arith.constant 0 : i32
        %add3A_82 = arith.addi %add3A_81, %multiple_of3A_80 : i32
        %dma_start3A_83 = arith.constant 0 : i32
        %dma_start3A_84 = tpu.memref_slice %arg2[%add3A_82, %dma_start3A_83] : memref<262144x128xf32, #tpu.memory_space<hbm>> -> memref<128x128xf32, #tpu.memory_space<hbm>>
        %dma_start3A_85 = arith.constant 0 : i32
        %dma_start3A_86 = tpu.memref_slice %arg2[%add3A_82, %dma_start3A_85] : memref<262144x128xf32, #tpu.memory_space<hbm>> -> memref<128x128xf32, #tpu.memory_space<hbm>>
        tpu.enqueue_dma source(%dma_start3A_86 : memref<128x128xf32, #tpu.memory_space<hbm>>) target(%arg6 : memref<128x128xf32, #tpu.memory_space<vmem>>) target_semaphore(%arg10 : memref<!tpu.dma_semaphore, #tpu.memory_space<semaphore_mem>>)
        %dma_start3A_87 = tpu.memref_slice %arg3[%multiple_of3A_80] : memref<131072xi32, #tpu.memory_space<hbm>> -> memref<128xi32, #tpu.memory_space<hbm>>
        %dma_start3A_88 = tpu.memref_slice %arg3[%multiple_of3A_80] : memref<131072xi32, #tpu.memory_space<hbm>> -> memref<128xi32, #tpu.memory_space<hbm>>
        tpu.enqueue_dma source(%dma_start3A_88 : memref<128xi32, #tpu.memory_space<hbm>>) target(%arg8 : memref<128xi32, #tpu.memory_space<vmem>>) target_semaphore(%arg10 : memref<!tpu.dma_semaphore, #tpu.memory_space<semaphore_mem>>)
      } else {
      }
      "tpu.region"() ({
        %run_scoped3A = tpu.sem_alloc : memref<!tpu.dma_semaphore, #tpu.memory_space<semaphore_mem>>
        %dma_start3A_75 = arith.constant 0 : i32
        %dma_start3A_76 = arith.constant 0 : i32
        %dma_start3A_77 = tpu.memref_slice %arg12[%dma_start3A_75, %dma_start3A_76] : memref<8192x128xf32, #tpu.memory_space<vmem_shared>> -> memref<8192x128xf32, #tpu.memory_space<vmem_shared>>
        tpu.enqueue_indirect_dma source(%arg7 : memref<128x128xf32, #tpu.memory_space<vmem>>) target(%dma_start3A_77 : memref<8192x128xf32, #tpu.memory_space<vmem_shared>>) offsets(%arg9 : memref<128xi32, #tpu.memory_space<vmem>>) semaphore(%run_scoped3A : memref<!tpu.dma_semaphore, #tpu.memory_space<semaphore_mem>>) {add = true}
        %dma_wait3A_78 = arith.constant 0 : i32
        %dma_wait3A_79 = arith.constant 0 : i32
        %dma_wait3A_80 = tpu.memref_slice %arg12[%dma_wait3A_78, %dma_wait3A_79] : memref<8192x128xf32, #tpu.memory_space<vmem_shared>> -> memref<8192x128xf32, #tpu.memory_space<vmem_shared>>
        tpu.wait_indirect_dma semaphore(%run_scoped3A : memref<!tpu.dma_semaphore, #tpu.memory_space<semaphore_mem>>) src(%arg7 : memref<128x128xf32, #tpu.memory_space<vmem>>) dst(%dma_wait3A_80 : memref<8192x128xf32, #tpu.memory_space<vmem_shared>>)
        tpu.yield
      }) : () -> ()
    }
    %scan3A_18 = arith.constant 16 : i32
    %barrier3A_19 = arith.constant 0 : index
    tpu.barrier barrier_id(%barrier3A_19)
    %mul3A_20 = arith.constant 8192 : i32
    %mul3A_21 = arith.muli %arg0, %mul3A_20 : i32
    %mul3A_22 = arith.constant 512 : i32
    %mul3A_23 = arith.muli %arg1, %mul3A_22 : i32
    %add3A_24 = arith.addi %mul3A_21, %mul3A_23 : i32
    %mul3A_25 = arith.constant 512 : i32
    %mul3A_26 = arith.muli %arg1, %mul3A_25 : i32
    "tpu.region"() ({
      %run_scoped3A = tpu.sem_alloc : memref<!tpu.dma_semaphore, #tpu.memory_space<semaphore_mem>>
      %dma_start3A_27 = arith.constant 0 : i32
      %dma_start3A_28 = tpu.memref_slice %arg5[%add3A_24, %dma_start3A_27] : memref<16384x128xf32, #tpu.memory_space<hbm>> -> memref<512x128xf32, #tpu.memory_space<hbm>>
      %dma_start3A_29 = arith.constant 0 : i32
      %dma_start3A_30 = tpu.memref_slice %arg12[%mul3A_26, %dma_start3A_29] : memref<8192x128xf32, #tpu.memory_space<vmem_shared>> -> memref<512x128xf32, #tpu.memory_space<vmem_shared>>
      tpu.enqueue_dma source(%dma_start3A_30 : memref<512x128xf32, #tpu.memory_space<vmem_shared>>) target(%dma_start3A_28 : memref<512x128xf32, #tpu.memory_space<hbm>>) target_semaphore(%run_scoped3A : memref<!tpu.dma_semaphore, #tpu.memory_space<semaphore_mem>>)
      %dma_wait3A = arith.constant 0 : i32
      %dma_wait3A_31 = tpu.memref_slice %arg5[%add3A_24, %dma_wait3A] : memref<16384x128xf32, #tpu.memory_space<hbm>> -> memref<512x128xf32, #tpu.memory_space<hbm>>
      %dma_wait3A_32 = arith.constant 0 : i32
      %dma_wait3A_33 = tpu.memref_slice %arg12[%mul3A_26, %dma_wait3A_32] : memref<8192x128xf32, #tpu.memory_space<vmem_shared>> -> memref<512x128xf32, #tpu.memory_space<vmem_shared>>
      tpu.wait_dma2 semaphore(%run_scoped3A : memref<!tpu.dma_semaphore, #tpu.memory_space<semaphore_mem>>) src(%dma_wait3A_33 : memref<512x128xf32, #tpu.memory_space<vmem_shared>>) dst(%dma_wait3A_31 : memref<512x128xf32, #tpu.memory_space<hbm>>)
      tpu.yield
    }) : () -> ()
    return
  }
}

module attributes {stable_mosaic.version = 14 : i64} {
  func.func @_merge_body(%arg0: i32, %arg1: memref<512x128xf32, #tpu.memory_space<vmem>>, %arg2: memref<512x128xf32, #tpu.memory_space<vmem>>, %arg3: memref<512x128xf32, #tpu.memory_space<vmem>>, %arg4: memref<512x128xf32, #tpu.memory_space<vmem>>, %arg5: memref<512x128xf32, #tpu.memory_space<vmem>>) attributes {dimension_semantics = [#tpu.dimension_semantics<arbitrary>], iteration_bounds = array<i64: 16>, scalar_prefetch = 0 : i64, scratch_operands = 0 : i64, tpu.core_type = #tpu.core_type<tc>, window_params = [{transform_indices = @transform_0, window_bounds = array<i64: 512, 128>}, {transform_indices = @transform_1, window_bounds = array<i64: 512, 128>}, {transform_indices = @transform_2, window_bounds = array<i64: 512, 128>}, {transform_indices = @transform_3, window_bounds = array<i64: 512, 128>}, {transform_indices = @transform_4, window_bounds = array<i64: 512, 128>}]} {
    %get3A = arith.constant 0 : index
    %get3A_0 = arith.constant 0 : index
    %get3A_1 = vector.load %arg1[%get3A, %get3A_0] : memref<512x128xf32, #tpu.memory_space<vmem>>, vector<512x128xf32>
    %get3A_2 = arith.constant 0 : index
    %get3A_3 = arith.constant 0 : index
    %get3A_4 = vector.load %arg2[%get3A_2, %get3A_3] : memref<512x128xf32, #tpu.memory_space<vmem>>, vector<512x128xf32>
    %add3A = arith.addf %get3A_1, %get3A_4 : vector<512x128xf32>
    %get3A_5 = arith.constant 0 : index
    %get3A_6 = arith.constant 0 : index
    %get3A_7 = vector.load %arg3[%get3A_5, %get3A_6] : memref<512x128xf32, #tpu.memory_space<vmem>>, vector<512x128xf32>
    %add3A_8 = arith.addf %add3A, %get3A_7 : vector<512x128xf32>
    %get3A_9 = arith.constant 0 : index
    %get3A_10 = arith.constant 0 : index
    %get3A_11 = vector.load %arg4[%get3A_9, %get3A_10] : memref<512x128xf32, #tpu.memory_space<vmem>>, vector<512x128xf32>
    %add3A_12 = arith.addf %add3A_8, %get3A_11 : vector<512x128xf32>
    %swap3A = arith.constant 0 : index
    %swap3A_13 = arith.constant 0 : index
    %swap3A_14 = vector.load %arg5[%swap3A, %swap3A_13] : memref<512x128xf32, #tpu.memory_space<vmem>>, vector<512x128xf32>
    tpu.vector_store %arg5[%swap3A, %swap3A_13], %add3A_12 {strides = array<i32>} : memref<512x128xf32, #tpu.memory_space<vmem>>, vector<512x128xf32>,
    return
  }
  func.func @transform_0(%arg0: i32) -> (i32, i32) {
    %c0_i32 = arith.constant 0 : i32
    %c0_i32_0 = arith.constant 0 : i32
    return %arg0, %c0_i32 : i32, i32
  }
  func.func @transform_1(%arg0: i32) -> (i32, i32) {
    %add3A = arith.constant 16 : i32
    %add3A_0 = arith.addi %arg0, %add3A : i32
    %c0_i32 = arith.constant 0 : i32
    %c0_i32_1 = arith.constant 0 : i32
    return %add3A_0, %c0_i32 : i32, i32
  }
  func.func @transform_2(%arg0: i32) -> (i32, i32) {
    %c0_i32 = arith.constant 0 : i32
    %c0_i32_0 = arith.constant 0 : i32
    return %arg0, %c0_i32 : i32, i32
  }
  func.func @transform_3(%arg0: i32) -> (i32, i32) {
    %add3A = arith.constant 16 : i32
    %add3A_0 = arith.addi %arg0, %add3A : i32
    %c0_i32 = arith.constant 0 : i32
    %c0_i32_1 = arith.constant 0 : i32
    return %add3A_0, %c0_i32 : i32, i32
  }
  func.func @transform_4(%arg0: i32) -> (i32, i32) {
    %c0_i32 = arith.constant 0 : i32
    %c0_i32_0 = arith.constant 0 : i32
    return %arg0, %c0_i32 : i32, i32
  }
}

module attributes {stable_mosaic.version = 14 : i64} {
  func.func @_assign_body(%arg0: i32, %arg1: memref<1x1x4096xi32, #tpu.memory_space<vmem>>, %arg2: memref<8x128xf32, #tpu.memory_space<vmem>>, %arg3: memref<4096x128xf32, #tpu.memory_space<vmem>>, %arg4: memref<1x1x4096xi32, #tpu.memory_space<vmem>>) attributes {dimension_semantics = [#tpu.dimension_semantics<arbitrary>], iteration_bounds = array<i64: 32>, scalar_prefetch = 0 : i64, scratch_operands = 0 : i64, tpu.core_type = #tpu.core_type<tc>, window_params = [{transform_indices = @transform_0, window_bounds = array<i64: 1, 1, 4096>}, {pipeline_mode = #tpu.pipeline_mode<synchronous>, transform_indices = @transform_1, window_bounds = array<i64: 8, 128>}, {transform_indices = @transform_2, window_bounds = array<i64: 4096, 128>}, {transform_indices = @transform_3, window_bounds = array<i64: 1, 1, 4096>}]} {
    %get3A = arith.constant 0 : index
    %get3A_0 = arith.constant 0 : index
    %get3A_1 = vector.load %arg3[%get3A, %get3A_0] : memref<4096x128xf32, #tpu.memory_space<vmem>>, vector<4096x128xf32>
    %convert_element_type3A = arith.truncf %get3A_1 : vector<4096x128xf32> to vector<4096x128xbf16>
    %get3A_2 = arith.constant 0 : index
    %get3A_3 = arith.constant 0 : index
    %get3A_4 = vector.load %arg2[%get3A_2, %get3A_3] : memref<8x128xf32, #tpu.memory_space<vmem>>, vector<8x128xf32>
    %convert_element_type3A_5 = arith.truncf %get3A_4 : vector<8x128xf32> to vector<8x128xbf16>
    %dot_general3A = arith.constant dense<0.000000e+00> : vector<8x4096xf32>
    %dot_general3A_6 = tpu.matmul %convert_element_type3A_5, %convert_element_type3A, %dot_general3A {dimension_numbers = #tpu.dot_dimension_numbers<[1], [1], [0], [0], [0, 0, 1, 0], [], []>, transpose_lhs_hint = false} : vector<8x128xbf16>, vector<4096x128xbf16>, vector<8x4096xf32> -> vector<8x4096xf32>
    %mul3A = arith.mulf %get3A_4, %get3A_4 : vector<8x128xf32>
    %reduce_sum3A = arith.constant dense<0.000000e+00> : vector<8xf32>
    %reduce_sum3A_7 = vector.multi_reduction <add>, %mul3A, %reduce_sum3A [1] : vector<8x128xf32> to vector<8xf32>
    %broadcast_in_dim3A = vector.shape_cast %reduce_sum3A_7 : vector<8xf32> to vector<8x1xf32>
    %sqrt3A = math.sqrt %broadcast_in_dim3A : vector<8x1xf32>
    %div3A = vector.broadcast %sqrt3A : vector<8x1xf32> to vector<8x4096xf32>
    %div3A_8 = arith.divf %dot_general3A_6, %div3A : vector<8x4096xf32>
    %reduce_max3A = arith.constant dense<0xFF800000> : vector<4096xf32>
    %reduce_max3A_9 = vector.multi_reduction <maximumf>, %div3A_8, %reduce_max3A [0] : vector<8x4096xf32> to vector<4096xf32>
    %broadcast_in_dim3A_10 = vector.shape_cast %reduce_max3A_9 : vector<4096xf32> to vector<1x4096xf32>
    %iota3A = tpu.iota {dimensions = array<i32: 0>} : vector<8x4096xi32>
    %eq3A = vector.broadcast %broadcast_in_dim3A_10 : vector<1x4096xf32> to vector<8x4096xf32>
    %eq3A_11 = arith.cmpf oeq, %div3A_8, %eq3A : vector<8x4096xf32>
    %jit3A = arith.constant 8 : i32
    %broadcast_in_dim3A_12 = vector.broadcast %jit3A : i32 to vector<8x4096xi32>
    %select_n3A = arith.select %eq3A_11, %iota3A, %broadcast_in_dim3A_12 : vector<8x4096xi1>, vector<8x4096xi32>
    %reduce_min3A = arith.constant dense<2147483647> : vector<4096xi32>
    %reduce_min3A_13 = vector.multi_reduction <minsi>, %select_n3A, %reduce_min3A [0] : vector<8x4096xi32> to vector<4096xi32>
    %broadcast_in_dim3A_14 = vector.shape_cast %reduce_min3A_13 : vector<4096xi32> to vector<1x4096xi32>
    %get3A_15 = arith.constant 0 : index
    %get3A_16 = arith.constant 0 : index
    %get3A_17 = arith.constant 0 : index
    %get3A_18 = vector.load %arg1[%get3A_15, %get3A_16, %get3A_17] : memref<1x1x4096xi32, #tpu.memory_space<vmem>>, vector<1x1x4096xi32>
    %get3A_19 = vector.shape_cast %get3A_18 : vector<1x1x4096xi32> to vector<1x4096xi32>
    %mul3A_20 = arith.constant 8 : i32
    %mul3A_21 = vector.broadcast %mul3A_20 : i32 to vector<1x4096xi32>
    %mul3A_22 = arith.muli %get3A_19, %mul3A_21 : vector<1x4096xi32>
    %add3A = arith.addi %mul3A_22, %broadcast_in_dim3A_14 : vector<1x4096xi32>
    %swap3A = arith.constant 0 : index
    %swap3A_23 = arith.constant 0 : index
    %swap3A_24 = arith.constant 0 : index
    %swap3A_25 = vector.load %arg4[%swap3A, %swap3A_23, %swap3A_24] : memref<1x1x4096xi32, #tpu.memory_space<vmem>>, vector<1x1x4096xi32>
    %swap3A_26 = vector.shape_cast %swap3A_25 : vector<1x1x4096xi32> to vector<1x4096xi32>
    %swap3A_27 = vector.shape_cast %add3A : vector<1x4096xi32> to vector<1x1x4096xi32>
    tpu.vector_store %arg4[%swap3A, %swap3A_23, %swap3A_24], %swap3A_27 {strides = array<i32>} : memref<1x1x4096xi32, #tpu.memory_space<vmem>>, vector<1x1x4096xi32>,
    return
  }
  func.func @transform_0(%arg0: i32) -> (i32, i32, i32) {
    %add3A = arith.constant 0 : i32
    %add3A_0 = arith.addi %arg0, %add3A : i32
    %c0_i32 = arith.constant 0 : i32
    %c0_i32_1 = arith.constant 0 : i32
    %c0_i32_2 = arith.constant 0 : i32
    return %add3A_0, %c0_i32, %c0_i32_1 : i32, i32, i32
  }
  func.func @transform_1(%arg0: i32) -> (i32, i32) {
    %c0_i32 = arith.constant 0 : i32
    %c0_i32_0 = arith.constant 0 : i32
    %c0_i32_1 = arith.constant 0 : i32
    return %c0_i32, %c0_i32_0 : i32, i32
  }
  func.func @transform_2(%arg0: i32) -> (i32, i32) {
    %add3A = arith.constant 0 : i32
    %add3A_0 = arith.addi %arg0, %add3A : i32
    %c0_i32 = arith.constant 0 : i32
    %c0_i32_1 = arith.constant 0 : i32
    return %add3A_0, %c0_i32 : i32, i32
  }
  func.func @transform_3(%arg0: i32) -> (i32, i32, i32) {
    %c0_i32 = arith.constant 0 : i32
    %c0_i32_0 = arith.constant 0 : i32
    %c0_i32_1 = arith.constant 0 : i32
    return %arg0, %c0_i32, %c0_i32_0 : i32, i32, i32
  }
}

module attributes {stable_mosaic.version = 14 : i64} {
  func.func @_assign_body(%arg0: i32, %arg1: memref<1x1x4096xi32, #tpu.memory_space<vmem>>, %arg2: memref<8x128xf32, #tpu.memory_space<vmem>>, %arg3: memref<4096x128xf32, #tpu.memory_space<vmem>>, %arg4: memref<1x1x4096xi32, #tpu.memory_space<vmem>>) attributes {dimension_semantics = [#tpu.dimension_semantics<arbitrary>], iteration_bounds = array<i64: 32>, scalar_prefetch = 0 : i64, scratch_operands = 0 : i64, tpu.core_type = #tpu.core_type<tc>, window_params = [{transform_indices = @transform_0, window_bounds = array<i64: 1, 1, 4096>}, {pipeline_mode = #tpu.pipeline_mode<synchronous>, transform_indices = @transform_1, window_bounds = array<i64: 8, 128>}, {transform_indices = @transform_2, window_bounds = array<i64: 4096, 128>}, {transform_indices = @transform_3, window_bounds = array<i64: 1, 1, 4096>}]} {
    %get3A = arith.constant 0 : index
    %get3A_0 = arith.constant 0 : index
    %get3A_1 = vector.load %arg3[%get3A, %get3A_0] : memref<4096x128xf32, #tpu.memory_space<vmem>>, vector<4096x128xf32>
    %convert_element_type3A = arith.truncf %get3A_1 : vector<4096x128xf32> to vector<4096x128xbf16>
    %get3A_2 = arith.constant 0 : index
    %get3A_3 = arith.constant 0 : index
    %get3A_4 = vector.load %arg2[%get3A_2, %get3A_3] : memref<8x128xf32, #tpu.memory_space<vmem>>, vector<8x128xf32>
    %convert_element_type3A_5 = arith.truncf %get3A_4 : vector<8x128xf32> to vector<8x128xbf16>
    %dot_general3A = arith.constant dense<0.000000e+00> : vector<8x4096xf32>
    %dot_general3A_6 = tpu.matmul %convert_element_type3A_5, %convert_element_type3A, %dot_general3A {dimension_numbers = #tpu.dot_dimension_numbers<[1], [1], [0], [0], [0, 0, 1, 0], [], []>, transpose_lhs_hint = false} : vector<8x128xbf16>, vector<4096x128xbf16>, vector<8x4096xf32> -> vector<8x4096xf32>
    %mul3A = arith.mulf %get3A_4, %get3A_4 : vector<8x128xf32>
    %reduce_sum3A = arith.constant dense<0.000000e+00> : vector<8xf32>
    %reduce_sum3A_7 = vector.multi_reduction <add>, %mul3A, %reduce_sum3A [1] : vector<8x128xf32> to vector<8xf32>
    %broadcast_in_dim3A = vector.shape_cast %reduce_sum3A_7 : vector<8xf32> to vector<8x1xf32>
    %sqrt3A = math.sqrt %broadcast_in_dim3A : vector<8x1xf32>
    %div3A = vector.broadcast %sqrt3A : vector<8x1xf32> to vector<8x4096xf32>
    %div3A_8 = arith.divf %dot_general3A_6, %div3A : vector<8x4096xf32>
    %reduce_max3A = arith.constant dense<0xFF800000> : vector<4096xf32>
    %reduce_max3A_9 = vector.multi_reduction <maximumf>, %div3A_8, %reduce_max3A [0] : vector<8x4096xf32> to vector<4096xf32>
    %broadcast_in_dim3A_10 = vector.shape_cast %reduce_max3A_9 : vector<4096xf32> to vector<1x4096xf32>
    %iota3A = tpu.iota {dimensions = array<i32: 0>} : vector<8x4096xi32>
    %eq3A = vector.broadcast %broadcast_in_dim3A_10 : vector<1x4096xf32> to vector<8x4096xf32>
    %eq3A_11 = arith.cmpf oeq, %div3A_8, %eq3A : vector<8x4096xf32>
    %jit3A = arith.constant 8 : i32
    %broadcast_in_dim3A_12 = vector.broadcast %jit3A : i32 to vector<8x4096xi32>
    %select_n3A = arith.select %eq3A_11, %iota3A, %broadcast_in_dim3A_12 : vector<8x4096xi1>, vector<8x4096xi32>
    %reduce_min3A = arith.constant dense<2147483647> : vector<4096xi32>
    %reduce_min3A_13 = vector.multi_reduction <minsi>, %select_n3A, %reduce_min3A [0] : vector<8x4096xi32> to vector<4096xi32>
    %broadcast_in_dim3A_14 = vector.shape_cast %reduce_min3A_13 : vector<4096xi32> to vector<1x4096xi32>
    %get3A_15 = arith.constant 0 : index
    %get3A_16 = arith.constant 0 : index
    %get3A_17 = arith.constant 0 : index
    %get3A_18 = vector.load %arg1[%get3A_15, %get3A_16, %get3A_17] : memref<1x1x4096xi32, #tpu.memory_space<vmem>>, vector<1x1x4096xi32>
    %get3A_19 = vector.shape_cast %get3A_18 : vector<1x1x4096xi32> to vector<1x4096xi32>
    %mul3A_20 = arith.constant 8 : i32
    %mul3A_21 = vector.broadcast %mul3A_20 : i32 to vector<1x4096xi32>
    %mul3A_22 = arith.muli %get3A_19, %mul3A_21 : vector<1x4096xi32>
    %add3A = arith.addi %mul3A_22, %broadcast_in_dim3A_14 : vector<1x4096xi32>
    %swap3A = arith.constant 0 : index
    %swap3A_23 = arith.constant 0 : index
    %swap3A_24 = arith.constant 0 : index
    %swap3A_25 = vector.load %arg4[%swap3A, %swap3A_23, %swap3A_24] : memref<1x1x4096xi32, #tpu.memory_space<vmem>>, vector<1x1x4096xi32>
    %swap3A_26 = vector.shape_cast %swap3A_25 : vector<1x1x4096xi32> to vector<1x4096xi32>
    %swap3A_27 = vector.shape_cast %add3A : vector<1x4096xi32> to vector<1x1x4096xi32>
    tpu.vector_store %arg4[%swap3A, %swap3A_23, %swap3A_24], %swap3A_27 {strides = array<i32>} : memref<1x1x4096xi32, #tpu.memory_space<vmem>>, vector<1x1x4096xi32>,
    return
  }
  func.func @transform_0(%arg0: i32) -> (i32, i32, i32) {
    %add3A = arith.constant 32 : i32
    %add3A_0 = arith.addi %arg0, %add3A : i32
    %c0_i32 = arith.constant 0 : i32
    %c0_i32_1 = arith.constant 0 : i32
    %c0_i32_2 = arith.constant 0 : i32
    return %add3A_0, %c0_i32, %c0_i32_1 : i32, i32, i32
  }
  func.func @transform_1(%arg0: i32) -> (i32, i32) {
    %c0_i32 = arith.constant 0 : i32
    %c0_i32_0 = arith.constant 0 : i32
    %c0_i32_1 = arith.constant 0 : i32
    return %c0_i32, %c0_i32_0 : i32, i32
  }
  func.func @transform_2(%arg0: i32) -> (i32, i32) {
    %add3A = arith.constant 32 : i32
    %add3A_0 = arith.addi %arg0, %add3A : i32
    %c0_i32 = arith.constant 0 : i32
    %c0_i32_1 = arith.constant 0 : i32
    return %add3A_0, %c0_i32 : i32, i32
  }
  func.func @transform_3(%arg0: i32) -> (i32, i32, i32) {
    %c0_i32 = arith.constant 0 : i32
    %c0_i32_0 = arith.constant 0 : i32
    %c0_i32_1 = arith.constant 0 : i32
    return %arg0, %c0_i32, %c0_i32_0 : i32, i32, i32
  }
}

</mosaic_0001>

<sc_bundles>
// kernel: kernel.10.cloned.1.call-start
scs
__scs_entry_jumppad:
0x0: {  	(pc) =	sbr.rel $0x88, $3  }
0x1: {  	(tag) =	ssettag $0x0;
	lr =	simm.s32 $0x1  }
0x2: {  	[smem:$0x3F9E] =	sst lr;
	_ =	strace $0xD0000000  }
0x3: {  	_ = 	snop  }
0x4: {  	_ = 	snop  }
0x5: {  	_ = 	snop  }
0x6: {  	_ = 	snop  }
0x7: {  	_ = 	snop  }
__scs_overlays_trampoline_lowered:
0x8: {  	[smem:$0x3FAD] =	sst s0  }
0x9: {  	[smem:$0x3FAE] =	sst s1  }
0xa: {  	[smem:$0x3FAF] =	sst s2  }
0xb: {  	[smem:$0x3FB0] =	sst s3  }
0xc: {  	[smem:$0x3FB1] =	sst s4  }
0xd: {  	[smem:$0x3FB2] =	sst s5  }
0xe: {  	[smem:$0x3FB3] =	sst s6  }
0xf: {  	[smem:$0x3FB4] =	sst s7  }
0x10: {  	[smem:$0x3FB5] =	sst s8  }
0x11: {  	[smem:$0x3FB6] =	sst s9;
	s0 =	simm.s32 @!p0 $0x0  }
0x12: {  	s1 =	sld [smem:$0x3F9C];
	s0 =	simm.s32 @p0 $0x1  }
0x13: {  	[smem:$0x3FB7] =	sst s0;
	s0 =	simm.s32 @!p1 $0x0  }
0x14: {  	s2 =	sld [smem:$0x3F9B];
	s0 =	simm.s32 @p1 $0x1  }
0x15: {  	[smem:$0x3FB8] =	sst s0;
	s0 =	simm.s32 @!p2 $0x0  }
0x16: {  	s3 =	sld [smem:$0x3FDB];
	s0 =	simm.s32 @p2 $0x1  }
0x17: {  	s4 =	simm.s32 $0x1BF5;
	[smem:$0x3FBA] =	sst s0  }
0x18: {  	s0 =	sld [smem:$0x3F9D];
	_ =	swait.ge [sflag:s4], $0x0  }
0x19: {  	s7 =	sld [smem:$0x3F9E]  }
0x1a: {  	s8 =	sadd.s32 $0xFFFFE003, lr  }
0x1b: {  	s9 =	sadd.s32 $0xFFFFFEF7, lr;
	s5 =	simm.s32 $0xFFFFFFFF;
	p2 =	slt.u32 s8, $0xFFFFF086  }
0x1c: {  	p1 =	slt.u32 s9, $0xF7A;
	s5 =	simm.s32 @!p2 $0x0  }
0x1d: {  	s5 =	simm.s32 @p1 $0x1;
	p0 =	seq.s32 s7, s2  }
0x1e: {  	s7 =	smul.u32 @!p0 $0xF7A, s2;
	p2 =	seq.s32 @!p0 s5, $0x0  }
0x1f: {  	s9 =	smul.u32 $0xF7A, s1;
	s8 =	simm.s32 @!p0 $0x1BF5;
	p2 =	por !p2, p0  }
0x20: {  	[sflag:s8] =	ssyncset.s32 @!p0 $0xFFFFF086;
	s6 =	sadd.s32 @!p0 s3, s7;
	s7 =	simm.s32 @!p0 $0x108  }
0x21: {  	s3 =	sadd.s32 s3, s9;
	s6 =	sadd.s32 @!p0 $0x88, s6;
	s7 =	simm.s32 @p2 $0x1082  }
0x22: {  	[simem:s7], [sflag:s8] =	dma.local @!p0 [hbm:s6], $0xF7A  }
0x23: {  	s9 =	sor.u32 $0xD0000000, s2;
	s6 =	simm.s32 $0x108;
	_ =	swait.ge @!p0 [sflag:s8], $0x0  }
0x24: {  	s3 =	sadd.s32 $0x88, s3;
	s6 =	simm.s32 @!p1 $0x1082;
	[sflag:s4] =	ssyncset.s32 $0xFFFFF086  }
0x25: {  	[simem:s6], [sflag:s4] =	dma.local [hbm:s3], $0xF7A  }
0x26: {  	[smem:$0x3F9E] =	sst s1;
	(tag) =	ssettag s2;
	_ =	strace s9  }
0x27: {  	s1 =	sld [smem:$0x3FAE]  }
0x28: {  	s2 =	sld [smem:$0x3FAF]  }
0x29: {  	s4 =	sld [smem:$0x3FB1]  }
0x2a: {  	p0 =	seq.s32 s5, $0x0;
	s5 =	sld [smem:$0x3FB2]  }
0x2b: {  	s6 =	sld [smem:$0x3FB3]  }
0x2c: {  	s7 =	sld [smem:$0x3FB4]  }
0x2d: {  	s3 =	simm.s32 $0x108;
	s8 =	sld [smem:$0x3FB5]  }
0x2e: {  	s3 =	simm.s32 @!p0 $0x1082;
	s9 =	sld [smem:$0x3FB6]  }
0x2f: {  	lr =	sadd.s32 s0, s3;
	s0 =	sld [smem:$0x3FAD]  }
0x30: {  	s3 =	sld [smem:$0x3FB0]  }
0x31: {  	[smem:$0x3FB9] =	sst s10  }
0x32: {  	s10 =	sld [smem:$0x3FB7];
	_ =	sdelay $0x3  }
0x33: {  	p0 =	seq.s32 s10, $0x1;
	s10 =	sld [smem:$0x3FB9];
	_ =	sdelay $0x3  }
0x34: {  	[smem:$0x3FB9] =	sst s10  }
0x35: {  	s10 =	sld [smem:$0x3FB8];
	_ =	sdelay $0x3  }
0x36: {  	p1 =	seq.s32 s10, $0x1;
	s10 =	sld [smem:$0x3FB9];
	_ =	sdelay $0x3  }
0x37: {  	[smem:$0x3FB9] =	sst s10  }
0x38: {  	s10 =	sld [smem:$0x3FBA]  }
0x39: {  	_ = 	snop;
	(pc) =	sbr.ind lr, $3  }
0x3a: {  	_ = 	snop  }
0x3b: {  	_ = 	snop  }
0x3c: {  	p2 =	seq.s32 s10, $0x1;
	s10 =	sld [smem:$0x3FB9]  }
0x3d: {  	_ =	shalt  }
0x3e: {  	_ =	shalt  }
0x3f: {  	_ =	shalt  }
0x40: {  	_ =	shalt  }
0x41: {  	_ =	shalt  }
0x42: {  	_ =	shalt  }
0x43: {  	_ =	shalt  }
0x44: {  	_ =	shalt  }
0x45: {  	_ =	shalt  }
0x46: {  	_ =	shalt  }
0x47: {  	_ =	shalt  }
0x48: {  	_ =	shalt  }
0x49: {  	_ =	shalt  }
0x4a: {  	_ =	shalt  }
0x4b: {  	_ =	shalt  }
0x4c: {  	_ =	shalt  }
0x4d: {  	_ =	shalt  }
0x4e: {  	_ =	shalt  }
0x4f: {  	_ =	shalt  }
0x50: {  	_ =	shalt  }
0x51: {  	_ =	shalt  }
0x52: {  	_ =	shalt  }
0x53: {  	_ =	shalt  }
0x54: {  	_ =	shalt  }
0x55: {  	_ =	shalt  }
0x56: {  	_ =	shalt  }
0x57: {  	_ =	shalt  }
0x58: {  	_ =	shalt  }
0x59: {  	_ =	shalt  }
0x5a: {  	_ =	shalt  }
0x5b: {  	_ =	shalt  }
0x5c: {  	_ =	shalt  }
0x5d: {  	_ =	shalt  }
0x5e: {  	_ =	shalt  }
0x5f: {  	_ =	shalt  }
0x60: {  	_ =	shalt  }
0x61: {  	_ =	shalt  }
0x62: {  	_ =	shalt  }
0x63: {  	_ =	shalt  }
0x64: {  	_ =	shalt  }
0x65: {  	_ =	shalt  }
0x66: {  	_ =	shalt  }
0x67: {  	_ =	shalt  }
0x68: {  	_ =	shalt  }
0x69: {  	_ =	shalt  }
0x6a: {  	_ =	shalt  }
0x6b: {  	_ =	shalt  }
0x6c: {  	_ =	shalt  }
0x6d: {  	_ =	shalt  }
0x6e: {  	_ =	shalt  }
0x6f: {  	_ =	shalt  }
0x70: {  	_ =	shalt  }
0x71: {  	_ =	shalt  }
0x72: {  	_ =	shalt  }
0x73: {  	_ =	shalt  }
0x74: {  	_ =	shalt  }
0x75: {  	_ =	shalt  }
0x76: {  	_ =	shalt  }
0x77: {  	_ =	shalt  }
0x78: {  	_ =	shalt  }
0x79: {  	_ =	shalt  }
0x7a: {  	_ =	shalt  }
0x7b: {  	_ =	shalt  }
0x7c: {  	_ =	shalt  }
0x7d: {  	_ =	shalt  }
0x7e: {  	_ =	shalt  }
0x7f: {  	_ =	shalt  }
0x80: {  	_ =	shalt  }
0x81: {  	_ =	shalt  }
0x82: {  	_ =	shalt  }
0x83: {  	_ =	shalt  }
0x84: {  	_ =	shalt  }
0x85: {  	_ =	shalt  }
0x86: {  	_ =	shalt  }
0x87: {  	_ =	shalt  }
.Lfunc_end0:
.L_simem_size_0:
called_computation.1_lowered:
.L_overlay_start_0:
0x88: {  	s2 =	sld [smem:$0x3FD9]  }
0x89: {  	s3 =	sld [smem:$0x3FFE];
	_ =	sdelay $0x1  }
0x8a: {  	s1 =	srdreg.scid  }
0x8b: {  	s0 =	sand.u32 $0x1, s1  }
0x8c: {  	s17 =	sshll.u32 s0, $0xA;
	s2 =	sadd.s32 s3, s2  }
0x8d: {  	s2 =	sadd.s32 s2, s17  }
0x8e: {  	[smem:$0x3FC5] =	sst s2  }
0x8f: {  	_ = 	snop  }
0x90: {  	s18 =	sld [smem:$0x3FC9];
	(tm) =	ssettm $0x1  }
0x91: {  	s19 =	sld [smem:$0x3FFB];
	_ =	sdelay $0x3  }
0x92: {  	_ =	strace s19  }
0x93: {  	s2 =	sld [smem:$0x3FFC];
	_ =	sdelay $0x3  }
0x94: {  	_ =	strace s2  }
0x95: {  	s2 =	sld [smem:$0x3FFD];
	_ =	sdelay $0x3  }
0x96: {  	_ =	strace s2  }
0x97: {  	_ =	strace $0x8FFFFFFF  }
0x98: {  	s20 =	sld [smem:$0x3FDB];
	_ =	sdelay $0x1  }
0x99: {  	s4 =	simm.s32 $_scs_section_size  }
0x9a: {  	s5 =	simm.s32 $_size__tile_overlayer_lowered;
	s6 =	simm.s32 $_tile_overlayer_lowered  }
0x9b: {  	s7 =	simm.s32 $0x1BFF;
	s21 =	sshll.u32 s6, $0x1;
	s4 =	sadd.s32 s4, s20  }
0x9c: {  	s22 =	simm.s32 $0x0;
	s5 =	sshll.u32 s5, $0x1;
	s6 =	sadd.s32 s21, s4  }
0x9d: {  	[timem:s22], [sflag:s7] =	dma.local [hbm:s6], s5  }
0x9e: {  	_ =	swait.ge [sflag:s7], s5  }
0x9f: {  	s5 =	ssub.s32 $0x0, s5;
	[sflag:s7] =	ssyncset.done $0x0  }
0xa0: {  	[sflag:s7] =	ssyncadd.s32 s5;
	_ =	sdelay $0x1  }
0xa1: {  	s23 =	simm.s32 $0x1B8B  }
0xa2: {  	_ =	swait.ge [sflag:s23], $0x1  }
0xa3: {  	[sflag:s23] =	ssyncset.done $0x0  }
0xa4: {  	[sflag:s23] =	ssyncadd.s32 $0xFFFFFFFF  }
0xa5: {  	s5 =	sld [smem:$0x0]  }
0xa6: {  	s6 =	sand.u32 $0xFFFFFFFE, s1  }
0xa7: {  	p0 =	sne.s32 s1, s6  }
0xa8: {  	s6 =	sshll.u32 @p0 s6, $0xE  }
0xa9: {  	s6 =	sadd.s32 @p0 $0x11B8D, s6;
	s7 =	sshll.u32 @p0 s5, $0x11  }
0xaa: {  	s6 =	sor.u32 @p0 s7, s6  }
0xab: {  	[sflag:s6] =	ssyncadd.remote.s32 @p0 $0x1;
	_ =	sdelay $0x1  }
0xac: {  	s6 =	simm.s32 @p0 $0x1B8D  }
0xad: {  	_ =	swait.eq @p0 [sflag:s6], $0x1  }
0xae: {  	[sflag:s6] =	ssyncadd.s32 @p0 $0xFFFFFFFF  }
0xaf: {  	s7 =	sshll.u32 @!p0 s1, $0xE  }
0xb0: {  	s7 =	sor.u32 @!p0 $0x4000, s7;
	s6 =	simm.s32 @!p0 $0x1B8D  }
0xb1: {  	s5 =	sshll.u32 @!p0 s5, $0x11;
	s7 =	sadd.s32 @!p0 $0x11B8D, s7;
	_ =	swait.eq @!p0 [sflag:s6], $0x1  }
0xb2: {  	s5 =	sor.u32 @!p0 s5, s7;
	[sflag:s6] =	ssyncadd.s32 @!p0 $0xFFFFFFFF  }
0xb3: {  	s25 =	simm.s32 $0x1B8E;
	s24 =	sld [smem:$0x3FFE];
	[sflag:s5] =	ssyncadd.remote.s32 @!p0 $0x1  }
0xb4: {  	s26 =	simm.s32 $execute0_lowered;
	[smem:$0x3FD2] =	sst s25  }
0xb5: {  	s6 =	sshll.u32 s26, $0x1;
	_ =	strace $0x80000049;
	[dreg:$0x1] =	wrdreg $0xFFFFFFFF  }
0xb6: {  	s28 =	simm.s32 $_size_execute0_lowered;
	s4 =	sadd.s32 s4, s6;
	[dreg:$0x0] =	wrdreg $0x0  }
0xb7: {  	s6 =	sshll.u32 s28, $0x1;
	[dreg:$0x2] =	wrdreg s4  }
0xb8: {  	[dreg:$0x3] =	wrdreg s6  }
0xb9: {  	[dreg:$0x4] =	wrdreg $0xC0  }
0xba: {  	_ =	task [dreg:s22], $0x5FFFF  }
0xbb: {  	[dreg:$0x1] =	wrdreg $0xFFFFFFFF  }
0xbc: {  	[dreg:$0x0] =	wrdreg $0x60  }
0xbd: {  	[dreg:$0x2] =	wrdreg s18  }
0xbe: {  	[dreg:$0x3] =	wrdreg s24  }
0xbf: {  	[dreg:$0x4] =	wrdreg $0x81000  }
0xc0: {  	[dreg:$0x5] =	wrdreg $0xA  }
0xc1: {  	_ =	task.clear_ibuf [dreg:s22], $0x6FFFF;
	_ =	strace $0x90000049  }
0xc2: {  	s29 =	simm.s32 $0xA;
	_ =	strace $0x8000004B  }
0xc3: {  	_ =	swait.ge [sflag:s29], $0x1  }
0xc4: {  	[sflag:s29] =	ssyncadd.s32 $0xFFFFFFFF  }
0xc5: {  	_ =	strace $0x9000004B  }
0xc6: {  	_ =	sfence  }
0xc7: {  	s30 =	sld [smem:$0x0];
	_ =	sdelay $0x2  }
0xc8: {  	s31 =	sshll.u32 s1, $0xD;
	s1 =	sshrl.u32 s1, $0x2  }
0xc9: {  	s4 =	sand.u32 $0x4000, s31;
	s1 =	sadd.s32 s1, s30  }
0xca: {  	s0 =	sor.u32 s4, s0;
	s1 =	sshll.u32 s1, $0x11  }
0xcb: {  	s0 =	sor.u32 s1, s0  }
0xcc: {  	s0 =	sadd.s32 $0x8F2B, s0  }
0xcd: {  	[sflag:s0] =	ssyncadd.remote.s32 $0x1  }
0xce: {  	_ =	sfence.sel $0xFFFF  }
0xcf: {  	[dreg:$0x0] =	wrdreg $0xFFFFFFFF;
	(pc) =	sbr.abs _section_cstart, $3  }
0xd0: {  	[dreg:$0x1] =	wrdreg $0xFFFFFFFF  }
0xd1: {  	_ =	task.clear_ibuf [dreg:s22], $0x2FFFF;
	_ =	strace $0x9FFFFFFF  }
0xd2: {  	(tm) =	ssettm $0x7FFFFFFF  }
0xd3: {  	_ =	shalt  }
tec
execute0_lowered:
.L_overlay_start_1:
0x0: {  	(tag) =	ssettag $0x1  }
0x1: {  	s12 =	rddreg [dreg:$0x0]  }
0x2: {  	s5 =	rddreg [dreg:$0x1]  }
0x3: {  	s1 =	rddreg [dreg:$0x2]  }
0x4: {  	s0 =	rddreg [dreg:$0x3];
	s2 =	simm.s32 $0x0;
	s3 =	srdreg.scid  }
0x5: {  	s19 =	simm.s32 $0x4000;
	s20 =	simm.s32 $0x8080;
	s21 =	simm.s32 $0x80  }
0x6: {  	s22 =	simm.s32 $0x2;
	s23 =	simm.s32 $0x0;
	[smem:$0x7FF] =	sst s2  }
0x7: {  	s13 =	sand.u32 $0x1, s3;
	s14 =	sadd.s32 $0x43400, s5;
	s3 =	stileid.u32  }
0x8: {  	s4 =	sadd.s32 $0x1400, s5;
	s10 =	sadd.s32 $0x200000, s12;
	_ =	strace $0x8000004A  }
0x9: {  	s6 =	ssub.s32 $0x2, s13;
	s7 =	sshll.u32 s3, $0xD;
	s15 =	sshll.u32 s3, $0x10  }
0xa: {  	s24 =	sshll.u32 s3, $0x6;
	s25 =	sshll.u32 s13, $0x10;
	s26 =	sshll.u32 s3, $0xC  }
0xb: {  	s28 =	sshll.u32 s13, $0x11;
	s13 =	sshll.u32 s13, $0x14;
	s8 =	sshrl.u32 s6, $0x1  }
0xc: {  	s7 =	sadd.s32 s7, s5;
	s16 =	sadd.s32 s15, s1;
	s5 =	sor.u32 $0x1C03, s24  }
0xd: {  	s17 =	sor.u32 s26, s25;
	s12 =	sadd.s32 s13, s12;
	s9 =	ssub.s32 s6, s8  }
0xe: {  	s6 =	sshll.u32 s17, $0x4;
	s11 =	sshrl.u32 s17, $0x3;
	s8 =	sadd.s32 s28, s7  }
0xf: {  	s29 =	sor.u32 $0xF80, s17;
	s30 =	sor.u32 $0x80, s17;
	s17 =	sor.u32 $0x100, s17  }
0x10: {  	s12 =	sadd.s32 s15, s12;
	s15 =	sshrl.u32 s16, $0x3;
	s16 =	simm.s32 $0x3  }
0x11: {  	s6 =	sadd.s32 s6, s10;
	s7 =	sadd.s32 s14, s11;
	s8 =	sadd.s32 $0x47400, s8  }
0x12: {  	s9 =	smax.u32 s9, $0x1;
	s18 =	sshll.u32 s29, $0x4;
	s11 =	sshrl.u32 s29, $0x3  }
0x13: {  	s13 =	sshrl.u32 s30, $0x3;
	s31 =	sshrl.u32 s17, $0x3;
	s12 =	sadd.s32 $0x200800, s12  }
0x14: {  	s17 =	simm.s32 $0x8000;
	s10 =	sadd.s32 s18, s10;
	s11 =	sadd.s32 s14, s11  }
0x15: {  	s13 =	sadd.s32 s13, s14;
	s14 =	sadd.s32 s31, s14;
	s18 =	simm.s32 $0x1  }
.LBB2_1:
0x16: {  	[spmem:s15], [sflag:s5] =	dma.local [hbm:s4], $0x2000  }
0x17: {  	_ =	swait.ge [sflag:s16], $0x2000  }
0x18: {  	[sflag:s16] =	ssyncset.done $0x0  }
0x19: {  	[sflag:s16] =	ssyncadd.s32 $0xFFFFE000  }
0x1a: {  	[bflag:$0x0] =	sbarrier.arrive $0xFFFF  }
0x1b: {  	[tilespmem:s2], [sflag:$0x1] =	stream.linear.gather [hbm4b:s6+s2], $0x4000, $0x38;
	[tilespmem:$0x18100] =	vst v63  }
0x1c: {  	_ = 	snop  }
0x1d: {  	[tilespmem:s17], [sflag:$0x1] =	stream.linear.gather [hbm4b:s7+s2], $0x80, $0x38;
	[tilespmem:$0x18100] =	vst v63  }
0x1e: {  	_ =	swait.ge [sflag:s18], $0x4000  }
0x1f: {  	[sflag:s18] =	ssyncset.done $0x0  }
0x20: {  	[sflag:s18] =	ssyncadd.s32 $0xFFFFC000  }
0x21: {  	_ =	swait.ge [sflag:s18], $0x80  }
0x22: {  	[sflag:s18] =	ssyncset.done $0x0  }
0x23: {  	[sflag:s18] =	ssyncadd.s32 $0xFFFFFF80  }
0x24: {  	[tilespmem:s19], [sflag:$0x2] =	stream.linear.gather [hbm4b:s12+s2], $0x4000, $0x38;
	[tilespmem:$0x18100] =	vst v63  }
0x25: {  	s24 =	sadd.s32 $0x0, s13  }
0x26: {  	[tilespmem:s20], [sflag:$0x2] =	stream.linear.gather [hbm4b:s24+s2], $0x80, $0x38;
	[tilespmem:$0x18100] =	vst v63  }
0x27: {  	_ = 	snop  }
0x28: {  	[spmem:s1] =	stream.indirect.scatter.add.f32 [tilespmem:s2], [sflag:$0x3], $0x80, s17, s21, $0xb8;
	[tilespmem:$0x18100] =	vst v63  }
0x29: {  	_ =	swait.ge [sflag:s16], $0x4000  }
0x2a: {  	[sflag:s16] =	ssyncset.done $0x0  }
0x2b: {  	[sflag:s16] =	ssyncadd.s32 $0xFFFFC000  }
0x2c: {  	_ =	swait.ge [sflag:s22], $0x4000  }
0x2d: {  	[sflag:s22] =	ssyncset.done $0x0  }
0x2e: {  	[sflag:s22] =	ssyncadd.s32 $0xFFFFC000  }
0x2f: {  	_ =	swait.ge [sflag:s22], $0x80  }
0x30: {  	[sflag:s22] =	ssyncset.done $0x0  }
0x31: {  	s30 =	sadd.s32 $0x800, s12;
	[sflag:s22] =	ssyncadd.s32 $0xFFFFFF80  }
0x32: {  	[tilespmem:s2], [sflag:$0x1] =	stream.linear.gather [hbm4b:s30+s2], $0x4000, $0x38;
	[tilespmem:$0x18100] =	vst v63  }
0x33: {  	s31 =	sadd.s32 $0x0, s14  }
0x34: {  	[tilespmem:s17], [sflag:$0x1] =	stream.linear.gather [hbm4b:s31+s2], $0x80, $0x38;
	[tilespmem:$0x18100] =	vst v63  }
0x35: {  	_ = 	snop  }
0x36: {  	[spmem:s1] =	stream.indirect.scatter.add.f32 [tilespmem:s19], [sflag:$0x3], $0x80, s20, s21, $0xb8;
	[tilespmem:$0x18100] =	vst v63  }
0x37: {  	_ =	swait.ge [sflag:s16], $0x4000  }
0x38: {  	s25 =	smov.u32 s12;
	s24 =	simm.s32 $0x20;
	[sflag:s16] =	ssyncset.done $0x0  }
.LBB2_2:
0x39: {  	p0 =	sne.s32 s24, $0x1C0;
	[sflag:s16] =	ssyncadd.s32 $0xFFFFC000;
	s25 =	sadd.s32 $0x1000, s25  }
0x3a: {  	s26 =	smov.u32 s24;
	s24 =	sadd.s32 $0x20, s24  }
0x3b: {  	_ =	swait.ge [sflag:s18], $0x4000  }
0x3c: {  	[sflag:s18] =	ssyncset.done $0x0  }
0x3d: {  	[sflag:s18] =	ssyncadd.s32 $0xFFFFC000  }
0x3e: {  	_ =	swait.ge [sflag:s18], $0x80  }
0x3f: {  	[sflag:s18] =	ssyncset.done $0x0  }
0x40: {  	[sflag:s18] =	ssyncadd.s32 $0xFFFFFF80  }
0x41: {  	[tilespmem:s19], [sflag:$0x2] =	stream.linear.gather [hbm4b:s25+s2], $0x4000, $0x38;
	[tilespmem:$0x18100] =	vst v63  }
0x42: {  	s28 =	sadd.s32 s26, s13  }
0x43: {  	[tilespmem:s20], [sflag:$0x2] =	stream.linear.gather [hbm4b:s28+s2], $0x80, $0x38;
	[tilespmem:$0x18100] =	vst v63  }
0x44: {  	_ = 	snop  }
0x45: {  	[spmem:s1] =	stream.indirect.scatter.add.f32 [tilespmem:s2], [sflag:$0x3], $0x80, s17, s21, $0xb8;
	[tilespmem:$0x18100] =	vst v63  }
0x46: {  	_ =	swait.ge [sflag:s16], $0x4000  }
0x47: {  	[sflag:s16] =	ssyncset.done $0x0  }
0x48: {  	[sflag:s16] =	ssyncadd.s32 $0xFFFFC000  }
0x49: {  	_ =	swait.ge [sflag:s22], $0x4000  }
0x4a: {  	[sflag:s22] =	ssyncset.done $0x0  }
0x4b: {  	[sflag:s22] =	ssyncadd.s32 $0xFFFFC000  }
0x4c: {  	_ =	swait.ge [sflag:s22], $0x80  }
0x4d: {  	[sflag:s22] =	ssyncset.done $0x0  }
0x4e: {  	s28 =	sadd.s32 $0x800, s25;
	[sflag:s22] =	ssyncadd.s32 $0xFFFFFF80  }
0x4f: {  	[tilespmem:s2], [sflag:$0x1] =	stream.linear.gather [hbm4b:s28+s2], $0x4000, $0x38;
	[tilespmem:$0x18100] =	vst v63  }
0x50: {  	s26 =	sadd.s32 s26, s14  }
0x51: {  	[tilespmem:s17], [sflag:$0x1] =	stream.linear.gather [hbm4b:s26+s2], $0x80, $0x38;
	[tilespmem:$0x18100] =	vst v63  }
.Ltmp0:
0x52: {  	_ = 	snop;
	(pc) =	sbr.rel @p0 .LBB2_2-.Ltmp0, $4  }
0x53: {  	_ = 	snop  }
0x54: {  	[spmem:s1] =	stream.indirect.scatter.add.f32 [tilespmem:s19], [sflag:$0x3], $0x80, s20, s21, $0xb8;
	[tilespmem:$0x18100] =	vst v63  }
0x55: {  	_ =	swait.ge [sflag:s16], $0x4000  }
0x56: {  	[sflag:s16] =	ssyncset.done $0x0  }
0x57: {  	[sflag:s16] =	ssyncadd.s32 $0xFFFFC000  }
0x58: {  	_ =	swait.ge [sflag:s18], $0x4000  }
0x59: {  	[sflag:s18] =	ssyncset.done $0x0  }
0x5a: {  	[sflag:s18] =	ssyncadd.s32 $0xFFFFC000  }
0x5b: {  	_ =	swait.ge [sflag:s18], $0x80  }
0x5c: {  	[sflag:s18] =	ssyncset.done $0x0  }
0x5d: {  	[sflag:s18] =	ssyncadd.s32 $0xFFFFFF80  }
0x5e: {  	[tilespmem:s19], [sflag:$0x2] =	stream.linear.gather [hbm4b:s10+s2], $0x4000, $0x38;
	[tilespmem:$0x18100] =	vst v63  }
0x5f: {  	_ = 	snop  }
0x60: {  	[tilespmem:s20], [sflag:$0x2] =	stream.linear.gather [hbm4b:s11+s2], $0x80, $0x38;
	[tilespmem:$0x18100] =	vst v63  }
0x61: {  	_ = 	snop  }
0x62: {  	[spmem:s1] =	stream.indirect.scatter.add.f32 [tilespmem:s2], [sflag:$0x3], $0x80, s17, s21, $0xb8;
	[tilespmem:$0x18100] =	vst v63  }
0x63: {  	_ =	swait.ge [sflag:s16], $0x4000  }
0x64: {  	[sflag:s16] =	ssyncset.done $0x0  }
0x65: {  	[sflag:s16] =	ssyncadd.s32 $0xFFFFC000  }
0x66: {  	_ =	swait.ge [sflag:s22], $0x4000  }
0x67: {  	[sflag:s22] =	ssyncset.done $0x0  }
0x68: {  	[sflag:s22] =	ssyncadd.s32 $0xFFFFC000  }
0x69: {  	_ =	swait.ge [sflag:s22], $0x80  }
0x6a: {  	[sflag:s22] =	ssyncset.done $0x0  }
0x6b: {  	[sflag:s22] =	ssyncadd.s32 $0xFFFFFF80  }
0x6c: {  	[spmem:s1] =	stream.indirect.scatter.add.f32 [tilespmem:s19], [sflag:$0x3], $0x80, s20, s21, $0xb8;
	[tilespmem:$0x18100] =	vst v63  }
0x6d: {  	_ =	swait.ge [sflag:s16], $0x4000  }
0x6e: {  	s23 =	sadd.s32 $0x1, s23;
	[sflag:s16] =	ssyncset.done $0x0  }
0x6f: {  	p0 =	sne.s32 s23, s9;
	[sflag:s16] =	ssyncadd.s32 $0xFFFFC000  }
.Ltmp1:
0x70: {  	[bflag:$0x0] =	sbarrier.arrive $0xFFFF;
	(pc) =	sbr.rel @p0 .LBB2_1-.Ltmp1, $4  }
0x71: {  	[hbm:s8], [sflag:s5] =	dma.local [spmem:s15], $0x2000  }
0x72: {  	_ =	swait.ge [sflag:s16], $0x2000  }
0x73: {  	[sflag:s16] =	ssyncset.done $0x0  }
0x74: {  	[sflag:s16] =	ssyncadd.s32 $0xFFFFE000  }
0x75: {  	_ =	sfence.sel $0x180000  }
0x76: {  	[bflag:$0x0] =	sbarrier.arrive $0xFFFF  }
0x77: {  	p0 =	sne.s32 s3, $0x0;
	_ =	strace $0x9000004A  }
0x78: {  	s0 =	sadd.s32 @!p0 $0x100000, s0;
	[bflag:$0x2] =	sbarrier.arrive $0xFFFF  }
0x79: {  	[sflag:s0] =	ssyncadd.tile.s32 @!p0 $0x1;
	_ =	shalt  }
.Lfunc_end2:
_tile_overlayer_lowered:
.L_overlay_start_2:
0x7a: {  	(tag) =	ssettag $0x2  }
0x7b: {  	s0 =	rddreg [dreg:$0x0];
	s2 =	stileid.u32  }
0x7c: {  	s1 =	rddreg [dreg:$0x1];
	p0 =	sne.s32 s2, $0x0  }
0x7d: {  	s3 =	rddreg [dreg:$0x2];
	[bflag:$0x3] =	sbarrier.arrive $0xFFFF;
	s2 =	simm.s32 @!p0 $0x1C03  }
0x7e: {  	[timem:s3], [sflag:s2] =	dma.local @!p0 [hbm:s0], s1  }
0x7f: {  	s0 =	simm.s32 @!p0 $0x3  }
0x80: {  	_ =	swait.ge @!p0 [sflag:s0], s1  }
0x81: {  	s1 =	ssub.s32 @!p0 $0x0, s1;
	[sflag:s0] =	ssyncset.done @!p0 $0x0  }
0x82: {  	[sflag:s0] =	ssyncadd.s32 @!p0 s1  }
0x83: {  	[bflag:$0x3] =	sbarrier.arrive $0xFFFF  }
0x84: {  	_ =	shalt  }

// kernel: kernel.7.cloned.1.call-start
scs
__scs_entry_jumppad:
0x0: {  	(pc) =	sbr.rel $0x88, $3  }
0x1: {  	(tag) =	ssettag $0x0;
	lr =	simm.s32 $0x1  }
0x2: {  	[smem:$0x3F9E] =	sst lr;
	_ =	strace $0xD0000000  }
0x3: {  	_ = 	snop  }
0x4: {  	_ = 	snop  }
0x5: {  	_ = 	snop  }
0x6: {  	_ = 	snop  }
0x7: {  	_ = 	snop  }
__scs_overlays_trampoline_lowered:
0x8: {  	[smem:$0x3FAD] =	sst s0  }
0x9: {  	[smem:$0x3FAE] =	sst s1  }
0xa: {  	[smem:$0x3FAF] =	sst s2  }
0xb: {  	[smem:$0x3FB0] =	sst s3  }
0xc: {  	[smem:$0x3FB1] =	sst s4  }
0xd: {  	[smem:$0x3FB2] =	sst s5  }
0xe: {  	[smem:$0x3FB3] =	sst s6  }
0xf: {  	[smem:$0x3FB4] =	sst s7  }
0x10: {  	[smem:$0x3FB5] =	sst s8  }
0x11: {  	[smem:$0x3FB6] =	sst s9;
	s0 =	simm.s32 @!p0 $0x0  }
0x12: {  	s1 =	sld [smem:$0x3F9C];
	s0 =	simm.s32 @p0 $0x1  }
0x13: {  	[smem:$0x3FB7] =	sst s0;
	s0 =	simm.s32 @!p1 $0x0  }
0x14: {  	s2 =	sld [smem:$0x3F9B];
	s0 =	simm.s32 @p1 $0x1  }
0x15: {  	[smem:$0x3FB8] =	sst s0;
	s0 =	simm.s32 @!p2 $0x0  }
0x16: {  	s3 =	sld [smem:$0x3FDB];
	s0 =	simm.s32 @p2 $0x1  }
0x17: {  	s4 =	simm.s32 $0x1BF5;
	[smem:$0x3FBA] =	sst s0  }
0x18: {  	s0 =	sld [smem:$0x3F9D];
	_ =	swait.ge [sflag:s4], $0x0  }
0x19: {  	s7 =	sld [smem:$0x3F9E]  }
0x1a: {  	s8 =	sadd.s32 $0xFFFFE003, lr  }
0x1b: {  	s9 =	sadd.s32 $0xFFFFFEF7, lr;
	s5 =	simm.s32 $0xFFFFFFFF;
	p2 =	slt.u32 s8, $0xFFFFF086  }
0x1c: {  	p1 =	slt.u32 s9, $0xF7A;
	s5 =	simm.s32 @!p2 $0x0  }
0x1d: {  	s5 =	simm.s32 @p1 $0x1;
	p0 =	seq.s32 s7, s2  }
0x1e: {  	s7 =	smul.u32 @!p0 $0xF7A, s2;
	p2 =	seq.s32 @!p0 s5, $0x0  }
0x1f: {  	s9 =	smul.u32 $0xF7A, s1;
	s8 =	simm.s32 @!p0 $0x1BF5;
	p2 =	por !p2, p0  }
0x20: {  	[sflag:s8] =	ssyncset.s32 @!p0 $0xFFFFF086;
	s6 =	sadd.s32 @!p0 s3, s7;
	s7 =	simm.s32 @!p0 $0x108  }
0x21: {  	s3 =	sadd.s32 s3, s9;
	s6 =	sadd.s32 @!p0 $0x88, s6;
	s7 =	simm.s32 @p2 $0x1082  }
0x22: {  	[simem:s7], [sflag:s8] =	dma.local @!p0 [hbm:s6], $0xF7A  }
0x23: {  	s9 =	sor.u32 $0xD0000000, s2;
	s6 =	simm.s32 $0x108;
	_ =	swait.ge @!p0 [sflag:s8], $0x0  }
0x24: {  	s3 =	sadd.s32 $0x88, s3;
	s6 =	simm.s32 @!p1 $0x1082;
	[sflag:s4] =	ssyncset.s32 $0xFFFFF086  }
0x25: {  	[simem:s6], [sflag:s4] =	dma.local [hbm:s3], $0xF7A  }
0x26: {  	[smem:$0x3F9E] =	sst s1;
	(tag) =	ssettag s2;
	_ =	strace s9  }
0x27: {  	s1 =	sld [smem:$0x3FAE]  }
0x28: {  	s2 =	sld [smem:$0x3FAF]  }
0x29: {  	s4 =	sld [smem:$0x3FB1]  }
0x2a: {  	p0 =	seq.s32 s5, $0x0;
	s5 =	sld [smem:$0x3FB2]  }
0x2b: {  	s6 =	sld [smem:$0x3FB3]  }
0x2c: {  	s7 =	sld [smem:$0x3FB4]  }
0x2d: {  	s3 =	simm.s32 $0x108;
	s8 =	sld [smem:$0x3FB5]  }
0x2e: {  	s3 =	simm.s32 @!p0 $0x1082;
	s9 =	sld [smem:$0x3FB6]  }
0x2f: {  	lr =	sadd.s32 s0, s3;
	s0 =	sld [smem:$0x3FAD]  }
0x30: {  	s3 =	sld [smem:$0x3FB0]  }
0x31: {  	[smem:$0x3FB9] =	sst s10  }
0x32: {  	s10 =	sld [smem:$0x3FB7];
	_ =	sdelay $0x3  }
0x33: {  	p0 =	seq.s32 s10, $0x1;
	s10 =	sld [smem:$0x3FB9];
	_ =	sdelay $0x3  }
0x34: {  	[smem:$0x3FB9] =	sst s10  }
0x35: {  	s10 =	sld [smem:$0x3FB8];
	_ =	sdelay $0x3  }
0x36: {  	p1 =	seq.s32 s10, $0x1;
	s10 =	sld [smem:$0x3FB9];
	_ =	sdelay $0x3  }
0x37: {  	[smem:$0x3FB9] =	sst s10  }
0x38: {  	s10 =	sld [smem:$0x3FBA]  }
0x39: {  	_ = 	snop;
	(pc) =	sbr.ind lr, $3  }
0x3a: {  	_ = 	snop  }
0x3b: {  	_ = 	snop  }
0x3c: {  	p2 =	seq.s32 s10, $0x1;
	s10 =	sld [smem:$0x3FB9]  }
0x3d: {  	_ =	shalt  }
0x3e: {  	_ =	shalt  }
0x3f: {  	_ =	shalt  }
0x40: {  	_ =	shalt  }
0x41: {  	_ =	shalt  }
0x42: {  	_ =	shalt  }
0x43: {  	_ =	shalt  }
0x44: {  	_ =	shalt  }
0x45: {  	_ =	shalt  }
0x46: {  	_ =	shalt  }
0x47: {  	_ =	shalt  }
0x48: {  	_ =	shalt  }
0x49: {  	_ =	shalt  }
0x4a: {  	_ =	shalt  }
0x4b: {  	_ =	shalt  }
0x4c: {  	_ =	shalt  }
0x4d: {  	_ =	shalt  }
0x4e: {  	_ =	shalt  }
0x4f: {  	_ =	shalt  }
0x50: {  	_ =	shalt  }
0x51: {  	_ =	shalt  }
0x52: {  	_ =	shalt  }
0x53: {  	_ =	shalt  }
0x54: {  	_ =	shalt  }
0x55: {  	_ =	shalt  }
0x56: {  	_ =	shalt  }
0x57: {  	_ =	shalt  }
0x58: {  	_ =	shalt  }
0x59: {  	_ =	shalt  }
0x5a: {  	_ =	shalt  }
0x5b: {  	_ =	shalt  }
0x5c: {  	_ =	shalt  }
0x5d: {  	_ =	shalt  }
0x5e: {  	_ =	shalt  }
0x5f: {  	_ =	shalt  }
0x60: {  	_ =	shalt  }
0x61: {  	_ =	shalt  }
0x62: {  	_ =	shalt  }
0x63: {  	_ =	shalt  }
0x64: {  	_ =	shalt  }
0x65: {  	_ =	shalt  }
0x66: {  	_ =	shalt  }
0x67: {  	_ =	shalt  }
0x68: {  	_ =	shalt  }
0x69: {  	_ =	shalt  }
0x6a: {  	_ =	shalt  }
0x6b: {  	_ =	shalt  }
0x6c: {  	_ =	shalt  }
0x6d: {  	_ =	shalt  }
0x6e: {  	_ =	shalt  }
0x6f: {  	_ =	shalt  }
0x70: {  	_ =	shalt  }
0x71: {  	_ =	shalt  }
0x72: {  	_ =	shalt  }
0x73: {  	_ =	shalt  }
0x74: {  	_ =	shalt  }
0x75: {  	_ =	shalt  }
0x76: {  	_ =	shalt  }
0x77: {  	_ =	shalt  }
0x78: {  	_ =	shalt  }
0x79: {  	_ =	shalt  }
0x7a: {  	_ =	shalt  }
0x7b: {  	_ =	shalt  }
0x7c: {  	_ =	shalt  }
0x7d: {  	_ =	shalt  }
0x7e: {  	_ =	shalt  }
0x7f: {  	_ =	shalt  }
0x80: {  	_ =	shalt  }
0x81: {  	_ =	shalt  }
0x82: {  	_ =	shalt  }
0x83: {  	_ =	shalt  }
0x84: {  	_ =	shalt  }
0x85: {  	_ =	shalt  }
0x86: {  	_ =	shalt  }
0x87: {  	_ =	shalt  }
.Lfunc_end0:
.L_simem_size_0:
called_computation_lowered:
.L_overlay_start_0:
0x88: {  	s2 =	sld [smem:$0x3FD9]  }
0x89: {  	s3 =	sld [smem:$0x3FFE];
	_ =	sdelay $0x1  }
0x8a: {  	s1 =	srdreg.scid  }
0x8b: {  	s0 =	sand.u32 $0x1, s1  }
0x8c: {  	s17 =	sshll.u32 s0, $0xA;
	s2 =	sadd.s32 s3, s2  }
0x8d: {  	s2 =	sadd.s32 s2, s17  }
0x8e: {  	[smem:$0x3FC5] =	sst s2  }
0x8f: {  	_ = 	snop  }
0x90: {  	s2 =	sld [smem:$0x3FC9]  }
0x91: {  	s18 =	sld [smem:$0x3FD0];
	(tm) =	ssettm $0x1  }
0x92: {  	s4 =	sld [smem:$0x3FFB];
	_ =	sdelay $0x3  }
0x93: {  	_ =	strace s4  }
0x94: {  	s4 =	sld [smem:$0x3FFC];
	_ =	sdelay $0x3  }
0x95: {  	_ =	strace s4  }
0x96: {  	s4 =	sld [smem:$0x3FFD];
	_ =	sdelay $0x3  }
0x97: {  	_ =	strace s4  }
0x98: {  	_ =	strace $0x8FFFFFFF  }
0x99: {  	s19 =	sld [smem:$0x3FDB];
	_ =	sdelay $0x1  }
0x9a: {  	s5 =	simm.s32 $_scs_section_size  }
0x9b: {  	s6 =	simm.s32 $_size__tile_overlayer_lowered;
	s7 =	simm.s32 $_tile_overlayer_lowered  }
0x9c: {  	s22 =	simm.s32 $0x1BFF;
	s21 =	sshll.u32 s7, $0x1;
	s4 =	sadd.s32 s5, s19  }
0x9d: {  	s8 =	simm.s32 $0x0;
	s20 =	sshll.u32 s6, $0x1;
	s6 =	sadd.s32 s21, s4  }
0x9e: {  	[timem:s8], [sflag:s22] =	dma.local [hbm:s6], s20  }
0x9f: {  	_ =	swait.ge [sflag:s22], s20  }
0xa0: {  	s5 =	ssub.s32 $0x0, s20;
	[sflag:s22] =	ssyncset.done $0x0  }
0xa1: {  	[sflag:s22] =	ssyncadd.s32 s5;
	_ =	sdelay $0x1  }
0xa2: {  	s23 =	simm.s32 $0x1B8B  }
0xa3: {  	_ =	swait.ge [sflag:s23], $0x1  }
0xa4: {  	[sflag:s23] =	ssyncset.done $0x0  }
0xa5: {  	s25 =	simm.s32 $0x1B8E;
	s24 =	sld [smem:$0x3FFE];
	[sflag:s23] =	ssyncadd.s32 $0xFFFFFFFF  }
0xa6: {  	s26 =	simm.s32 $execute0_lowered;
	[smem:$0x3FD2] =	sst s25  }
0xa7: {  	s6 =	sshll.u32 s26, $0x1;
	_ =	strace $0x80000046;
	[dreg:$0x1] =	wrdreg $0xFFFFFFFF  }
0xa8: {  	s28 =	simm.s32 $_size_execute0_lowered;
	s4 =	sadd.s32 s4, s6;
	[dreg:$0x0] =	wrdreg $0x0  }
0xa9: {  	s6 =	sshll.u32 s28, $0x1;
	[dreg:$0x2] =	wrdreg s4  }
0xaa: {  	[dreg:$0x3] =	wrdreg s6  }
0xab: {  	[dreg:$0x4] =	wrdreg $0xC0  }
0xac: {  	_ =	task [dreg:s8], $0x5FFFF  }
0xad: {  	[dreg:$0x1] =	wrdreg $0xFFFFFFFF  }
0xae: {  	[dreg:$0x0] =	wrdreg $0x60  }
0xaf: {  	[dreg:$0x2] =	wrdreg s2  }
0xb0: {  	[dreg:$0x3] =	wrdreg s18  }
0xb1: {  	[dreg:$0x4] =	wrdreg s24  }
0xb2: {  	[dreg:$0x5] =	wrdreg $0x81000  }
0xb3: {  	[dreg:$0x6] =	wrdreg $0x9  }
0xb4: {  	_ =	task.clear_ibuf [dreg:s8], $0x7FFFF;
	_ =	strace $0x90000046  }
0xb5: {  	s29 =	simm.s32 $0x9;
	_ =	strace $0x80000048  }
0xb6: {  	_ =	swait.ge [sflag:s29], $0x1  }
0xb7: {  	[sflag:s29] =	ssyncadd.s32 $0xFFFFFFFF  }
0xb8: {  	_ =	strace $0x90000048  }
0xb9: {  	_ =	sfence  }
0xba: {  	s30 =	sld [smem:$0x0];
	_ =	sdelay $0x2  }
0xbb: {  	s31 =	sshll.u32 s1, $0xD;
	s1 =	sshrl.u32 s1, $0x2  }
0xbc: {  	s3 =	sand.u32 $0x4000, s31;
	s1 =	sadd.s32 s1, s30  }
0xbd: {  	s0 =	sor.u32 s3, s0;
	s1 =	sshll.u32 s1, $0x11  }
0xbe: {  	s0 =	sor.u32 s1, s0  }
0xbf: {  	s0 =	sadd.s32 $0x8F2B, s0  }
0xc0: {  	[sflag:s0] =	ssyncadd.remote.s32 $0x1  }
0xc1: {  	_ =	sfence.sel $0xFFFF  }
0xc2: {  	[dreg:$0x0] =	wrdreg $0xFFFFFFFF;
	(pc) =	sbr.abs _section_cstart, $3  }
0xc3: {  	[dreg:$0x1] =	wrdreg $0xFFFFFFFF  }
0xc4: {  	_ =	task.clear_ibuf [dreg:s8], $0x2FFFF;
	_ =	strace $0x9FFFFFFF  }
0xc5: {  	(tm) =	ssettm $0x7FFFFFFF  }
tec
execute0_lowered:
.L_overlay_start_1:
0x0: {  	(tag) =	ssettag $0x1  }
0x1: {  	s12 =	rddreg [dreg:$0x0]  }
0x2: {  	s14 =	rddreg [dreg:$0x1]  }
0x3: {  	s5 =	rddreg [dreg:$0x2]  }
0x4: {  	s1 =	rddreg [dreg:$0x3];
	s2 =	srdreg.scid  }
0x5: {  	s0 =	rddreg [dreg:$0x4];
	s3 =	simm.s32 $0x0;
	s19 =	simm.s32 $0x4000  }
0x6: {  	s20 =	simm.s32 $0x8080;
	s21 =	simm.s32 $0x80;
	s13 =	sand.u32 $0x1, s2  }
0x7: {  	[smem:$0x7FF] =	sst s3;
	s2 =	stileid.u32;
	s4 =	sadd.s32 $0x1400, s5  }
0x8: {  	s6 =	ssub.s32 $0x2, s13;
	_ =	strace $0x80000047;
	s7 =	sshll.u32 s2, $0xD  }
0x9: {  	s15 =	sshll.u32 s2, $0x10;
	s22 =	sshll.u32 s13, $0x10;
	s23 =	sshll.u32 s2, $0xC  }
0xa: {  	s24 =	sshll.u32 s2, $0x6;
	s25 =	sshll.u32 s13, $0x11;
	s13 =	sshll.u32 s13, $0x14  }
0xb: {  	s8 =	sshrl.u32 s6, $0x1;
	s7 =	sadd.s32 s7, s5;
	s16 =	sadd.s32 s15, s1  }
0xc: {  	s17 =	sor.u32 s23, s22;
	s5 =	sor.u32 $0x1C03, s24;
	s22 =	simm.s32 $0x2  }
0xd: {  	s23 =	simm.s32 $0x0;
	s9 =	ssub.s32 s6, s8;
	s6 =	sshll.u32 s17, $0x4  }
0xe: {  	s10 =	sshrl.u32 s17, $0x3;
	s8 =	sadd.s32 s25, s7;
	s26 =	sor.u32 $0xF80, s17  }
0xf: {  	s28 =	sor.u32 $0x80, s17;
	s29 =	sor.u32 $0x100, s17;
	s17 =	simm.s32 $0x8000  }
0x10: {  	s6 =	sadd.s32 s12, s6;
	s7 =	sadd.s32 s14, s10;
	s8 =	sadd.s32 $0x3400, s8  }
0x11: {  	s9 =	smax.u32 s9, $0x1;
	s11 =	sshll.u32 s26, $0x4;
	s18 =	sshrl.u32 s26, $0x3  }
0x12: {  	s30 =	sshrl.u32 s28, $0x3;
	s31 =	sshrl.u32 s29, $0x3;
	s10 =	sadd.s32 s12, s11  }
0x13: {  	s11 =	sadd.s32 s14, s18;
	s12 =	sadd.s32 s13, s12;
	s18 =	simm.s32 $0x1  }
0x14: {  	s15 =	sadd.s32 s15, s12;
	s12 =	sadd.s32 s30, s14;
	s14 =	sadd.s32 s31, s14  }
0x15: {  	s13 =	sadd.s32 $0x800, s15;
	s15 =	sshrl.u32 s16, $0x3;
	s16 =	simm.s32 $0x3  }
.LBB2_1:
0x16: {  	[spmem:s15], [sflag:s5] =	dma.local [hbm:s4], $0x2000  }
0x17: {  	_ =	swait.ge [sflag:s16], $0x2000  }
0x18: {  	[sflag:s16] =	ssyncset.done $0x0  }
0x19: {  	[sflag:s16] =	ssyncadd.s32 $0xFFFFE000  }
0x1a: {  	[bflag:$0x0] =	sbarrier.arrive $0xFFFF  }
0x1b: {  	[tilespmem:s3], [sflag:$0x1] =	stream.linear.gather [hbm4b:s6+s3], $0x4000, $0x38;
	[tilespmem:$0x18100] =	vst v63  }
0x1c: {  	_ = 	snop  }
0x1d: {  	[tilespmem:s17], [sflag:$0x1] =	stream.linear.gather [hbm4b:s7+s3], $0x80, $0x38;
	[tilespmem:$0x18100] =	vst v63  }
0x1e: {  	_ =	swait.ge [sflag:s18], $0x4000  }
0x1f: {  	[sflag:s18] =	ssyncset.done $0x0  }
0x20: {  	[sflag:s18] =	ssyncadd.s32 $0xFFFFC000  }
0x21: {  	_ =	swait.ge [sflag:s18], $0x80  }
0x22: {  	[sflag:s18] =	ssyncset.done $0x0  }
0x23: {  	[sflag:s18] =	ssyncadd.s32 $0xFFFFFF80  }
0x24: {  	[tilespmem:s19], [sflag:$0x2] =	stream.linear.gather [hbm4b:s13+s3], $0x4000, $0x38;
	[tilespmem:$0x18100] =	vst v63  }
0x25: {  	s24 =	sadd.s32 $0x0, s12  }
0x26: {  	[tilespmem:s20], [sflag:$0x2] =	stream.linear.gather [hbm4b:s24+s3], $0x80, $0x38;
	[tilespmem:$0x18100] =	vst v63  }
0x27: {  	_ = 	snop  }
0x28: {  	[spmem:s1] =	stream.indirect.scatter.add.f32 [tilespmem:s3], [sflag:$0x3], $0x80, s17, s21, $0xb8;
	[tilespmem:$0x18100] =	vst v63  }
0x29: {  	_ =	swait.ge [sflag:s16], $0x4000  }
0x2a: {  	[sflag:s16] =	ssyncset.done $0x0  }
0x2b: {  	[sflag:s16] =	ssyncadd.s32 $0xFFFFC000  }
0x2c: {  	_ =	swait.ge [sflag:s22], $0x4000  }
0x2d: {  	[sflag:s22] =	ssyncset.done $0x0  }
0x2e: {  	[sflag:s22] =	ssyncadd.s32 $0xFFFFC000  }
0x2f: {  	_ =	swait.ge [sflag:s22], $0x80  }
0x30: {  	[sflag:s22] =	ssyncset.done $0x0  }
0x31: {  	s30 =	sadd.s32 $0x800, s13;
	[sflag:s22] =	ssyncadd.s32 $0xFFFFFF80  }
0x32: {  	[tilespmem:s3], [sflag:$0x1] =	stream.linear.gather [hbm4b:s30+s3], $0x4000, $0x38;
	[tilespmem:$0x18100] =	vst v63  }
0x33: {  	s31 =	sadd.s32 $0x0, s14  }
0x34: {  	[tilespmem:s17], [sflag:$0x1] =	stream.linear.gather [hbm4b:s31+s3], $0x80, $0x38;
	[tilespmem:$0x18100] =	vst v63  }
0x35: {  	_ = 	snop  }
0x36: {  	[spmem:s1] =	stream.indirect.scatter.add.f32 [tilespmem:s19], [sflag:$0x3], $0x80, s20, s21, $0xb8;
	[tilespmem:$0x18100] =	vst v63  }
0x37: {  	_ =	swait.ge [sflag:s16], $0x4000  }
0x38: {  	s25 =	smov.u32 s13;
	s24 =	simm.s32 $0x20;
	[sflag:s16] =	ssyncset.done $0x0  }
.LBB2_2:
0x39: {  	p0 =	sne.s32 s24, $0x1C0;
	[sflag:s16] =	ssyncadd.s32 $0xFFFFC000;
	s25 =	sadd.s32 $0x1000, s25  }
0x3a: {  	s26 =	smov.u32 s24;
	s24 =	sadd.s32 $0x20, s24  }
0x3b: {  	_ =	swait.ge [sflag:s18], $0x4000  }
0x3c: {  	[sflag:s18] =	ssyncset.done $0x0  }
0x3d: {  	[sflag:s18] =	ssyncadd.s32 $0xFFFFC000  }
0x3e: {  	_ =	swait.ge [sflag:s18], $0x80  }
0x3f: {  	[sflag:s18] =	ssyncset.done $0x0  }
0x40: {  	[sflag:s18] =	ssyncadd.s32 $0xFFFFFF80  }
0x41: {  	[tilespmem:s19], [sflag:$0x2] =	stream.linear.gather [hbm4b:s25+s3], $0x4000, $0x38;
	[tilespmem:$0x18100] =	vst v63  }
0x42: {  	s28 =	sadd.s32 s26, s12  }
0x43: {  	[tilespmem:s20], [sflag:$0x2] =	stream.linear.gather [hbm4b:s28+s3], $0x80, $0x38;
	[tilespmem:$0x18100] =	vst v63  }
0x44: {  	_ = 	snop  }
0x45: {  	[spmem:s1] =	stream.indirect.scatter.add.f32 [tilespmem:s3], [sflag:$0x3], $0x80, s17, s21, $0xb8;
	[tilespmem:$0x18100] =	vst v63  }
0x46: {  	_ =	swait.ge [sflag:s16], $0x4000  }
0x47: {  	[sflag:s16] =	ssyncset.done $0x0  }
0x48: {  	[sflag:s16] =	ssyncadd.s32 $0xFFFFC000  }
0x49: {  	_ =	swait.ge [sflag:s22], $0x4000  }
0x4a: {  	[sflag:s22] =	ssyncset.done $0x0  }
0x4b: {  	[sflag:s22] =	ssyncadd.s32 $0xFFFFC000  }
0x4c: {  	_ =	swait.ge [sflag:s22], $0x80  }
0x4d: {  	[sflag:s22] =	ssyncset.done $0x0  }
0x4e: {  	s28 =	sadd.s32 $0x800, s25;
	[sflag:s22] =	ssyncadd.s32 $0xFFFFFF80  }
0x4f: {  	[tilespmem:s3], [sflag:$0x1] =	stream.linear.gather [hbm4b:s28+s3], $0x4000, $0x38;
	[tilespmem:$0x18100] =	vst v63  }
0x50: {  	s26 =	sadd.s32 s26, s14  }
0x51: {  	[tilespmem:s17], [sflag:$0x1] =	stream.linear.gather [hbm4b:s26+s3], $0x80, $0x38;
	[tilespmem:$0x18100] =	vst v63  }
.Ltmp0:
0x52: {  	_ = 	snop;
	(pc) =	sbr.rel @p0 .LBB2_2-.Ltmp0, $4  }
0x53: {  	_ = 	snop  }
0x54: {  	[spmem:s1] =	stream.indirect.scatter.add.f32 [tilespmem:s19], [sflag:$0x3], $0x80, s20, s21, $0xb8;
	[tilespmem:$0x18100] =	vst v63  }
0x55: {  	_ =	swait.ge [sflag:s16], $0x4000  }
0x56: {  	[sflag:s16] =	ssyncset.done $0x0  }
0x57: {  	[sflag:s16] =	ssyncadd.s32 $0xFFFFC000  }
0x58: {  	_ =	swait.ge [sflag:s18], $0x4000  }
0x59: {  	[sflag:s18] =	ssyncset.done $0x0  }
0x5a: {  	[sflag:s18] =	ssyncadd.s32 $0xFFFFC000  }
0x5b: {  	_ =	swait.ge [sflag:s18], $0x80  }
0x5c: {  	[sflag:s18] =	ssyncset.done $0x0  }
0x5d: {  	[sflag:s18] =	ssyncadd.s32 $0xFFFFFF80  }
0x5e: {  	[tilespmem:s19], [sflag:$0x2] =	stream.linear.gather [hbm4b:s10+s3], $0x4000, $0x38;
	[tilespmem:$0x18100] =	vst v63  }
0x5f: {  	_ = 	snop  }
0x60: {  	[tilespmem:s20], [sflag:$0x2] =	stream.linear.gather [hbm4b:s11+s3], $0x80, $0x38;
	[tilespmem:$0x18100] =	vst v63  }
0x61: {  	_ = 	snop  }
0x62: {  	[spmem:s1] =	stream.indirect.scatter.add.f32 [tilespmem:s3], [sflag:$0x3], $0x80, s17, s21, $0xb8;
	[tilespmem:$0x18100] =	vst v63  }
0x63: {  	_ =	swait.ge [sflag:s16], $0x4000  }
0x64: {  	[sflag:s16] =	ssyncset.done $0x0  }
0x65: {  	[sflag:s16] =	ssyncadd.s32 $0xFFFFC000  }
0x66: {  	_ =	swait.ge [sflag:s22], $0x4000  }
0x67: {  	[sflag:s22] =	ssyncset.done $0x0  }
0x68: {  	[sflag:s22] =	ssyncadd.s32 $0xFFFFC000  }
0x69: {  	_ =	swait.ge [sflag:s22], $0x80  }
0x6a: {  	[sflag:s22] =	ssyncset.done $0x0  }
0x6b: {  	[sflag:s22] =	ssyncadd.s32 $0xFFFFFF80  }
0x6c: {  	[spmem:s1] =	stream.indirect.scatter.add.f32 [tilespmem:s19], [sflag:$0x3], $0x80, s20, s21, $0xb8;
	[tilespmem:$0x18100] =	vst v63  }
0x6d: {  	_ =	swait.ge [sflag:s16], $0x4000  }
0x6e: {  	s23 =	sadd.s32 $0x1, s23;
	[sflag:s16] =	ssyncset.done $0x0  }
0x6f: {  	p0 =	sne.s32 s23, s9;
	[sflag:s16] =	ssyncadd.s32 $0xFFFFC000  }
.Ltmp1:
0x70: {  	[bflag:$0x0] =	sbarrier.arrive $0xFFFF;
	(pc) =	sbr.rel @p0 .LBB2_1-.Ltmp1, $4  }
0x71: {  	[hbm:s8], [sflag:s5] =	dma.local [spmem:s15], $0x2000  }
0x72: {  	_ =	swait.ge [sflag:s16], $0x2000  }
0x73: {  	[sflag:s16] =	ssyncset.done $0x0  }
0x74: {  	[sflag:s16] =	ssyncadd.s32 $0xFFFFE000  }
0x75: {  	_ =	sfence.sel $0x180000  }
0x76: {  	[bflag:$0x0] =	sbarrier.arrive $0xFFFF  }
0x77: {  	p0 =	sne.s32 s2, $0x0;
	_ =	strace $0x90000047  }
0x78: {  	s0 =	sadd.s32 @!p0 $0x100000, s0;
	[bflag:$0x2] =	sbarrier.arrive $0xFFFF  }
0x79: {  	[sflag:s0] =	ssyncadd.tile.s32 @!p0 $0x1;
	_ =	shalt  }
.Lfunc_end2:
_tile_overlayer_lowered:
.L_overlay_start_2:
0x7a: {  	(tag) =	ssettag $0x2  }
0x7b: {  	s0 =	rddreg [dreg:$0x0];
	s2 =	stileid.u32  }
0x7c: {  	s1 =	rddreg [dreg:$0x1];
	p0 =	sne.s32 s2, $0x0  }
0x7d: {  	s3 =	rddreg [dreg:$0x2];
	[bflag:$0x3] =	sbarrier.arrive $0xFFFF;
	s2 =	simm.s32 @!p0 $0x1C03  }
0x7e: {  	[timem:s3], [sflag:s2] =	dma.local @!p0 [hbm:s0], s1  }
0x7f: {  	s0 =	simm.s32 @!p0 $0x3  }
0x80: {  	_ =	swait.ge @!p0 [sflag:s0], s1  }
0x81: {  	s1 =	ssub.s32 @!p0 $0x0, s1;
	[sflag:s0] =	ssyncset.done @!p0 $0x0  }
0x82: {  	[sflag:s0] =	ssyncadd.s32 @!p0 s1  }
0x83: {  	[bflag:$0x3] =	sbarrier.arrive $0xFFFF  }
0x84: {  	_ =	shalt  }

</sc_bundles>
